<compile_context>
chip_gen: v7x
topology: tpu7x:2x2x1
jax: 0.10.2.dev20260603
libtpu: 0.0.44.dev20260713+nightly
codegen_flags: <defaults>
</compile_context>

<pallas_src>
import jax
import jax.numpy as jnp
from jax import lax
from jax.experimental import pallas as pl
from jax.experimental.pallas import tpu as pltpu
from jax.experimental.pallas import tpu_sc as plsc

_B = 64
_T = 1024
_NS = 16
_CW = 2
_LARGE = 1e9


def _vgather(x, idx):
    dn = lax.GatherDimensionNumbers(
        offset_dims=(), collapsed_slice_dims=(0,), start_index_map=(0,))
    return lax.gather(x, idx[:, None], dn, slice_sizes=(1,),
                      mode=lax.GatherScatterMode.PROMISE_IN_BOUNDS)


def _viterbi_body(in_hbm, out_hbm, in_v, f_v, q_v, bits_v):
    cid = lax.axis_index("c")
    sid = lax.axis_index("s")
    wid = sid * 2 + cid
    row0 = wid * _CW

    lanes = lax.iota(jnp.int32, _NS)
    b_in = lax.shift_right_logical(lanes, 3) & 1
    k_lo = lanes & 1
    k_hi = lax.shift_right_logical(lanes, 2) & 1
    e0 = (b_in ^ k_lo).astype(jnp.float32)
    e1 = (b_in ^ k_hi ^ k_lo).astype(jnp.float32)
    f0 = 1.0 - e0
    f1 = 1.0 - e1
    from_e = 2 * (lanes & 7)

    for cw in range(_CW):
        pltpu.sync_copy(in_hbm.at[row0 + cw], in_v.at[pl.ds(cw * 2 * _T, 2 * _T)])

    cum_init = jnp.where(lanes == 0, 0.0, _LARGE).astype(jnp.float32)

    def acs_chunk(k, cums):
        out = []
        for cw in range(_CW):
            cum = cums[cw]
            chunk = in_v[pl.ds(cw * 2 * _T + k * 16, 16)]
            xi = lax.bitcast_convert_type(chunk, jnp.int32)
            xi = xi + 0x7FFF + (lax.shift_right_arithmetic(xi, 16) & 1)
            xi = lax.shift_left(lax.shift_right_arithmetic(xi, 16), 16)
            chunk = lax.bitcast_convert_type(xi, jnp.float32)
            for j in range(8):
                l0 = _vgather(chunk, jnp.full((_NS,), 2 * j, jnp.int32))
                l1 = _vgather(chunk, jnp.full((_NS,), 2 * j + 1, jnp.int32))
                bme = e0 * l0 + e1 * l1
                bmo = f0 * l0 + f1 * l1
                a = _vgather(cum, from_e) + bme
                c = _vgather(cum, from_e + 1) + bmo
                d = jnp.where(c < a, 1, 0)
                cum = jnp.minimum(a, c)
                f_v[pl.ds((cw * _T + k * 8 + j) * _NS, _NS)] = from_e + d
            out.append(cum)
        return tuple(out)

    cums = plsc.parallel_loop(0, _T // 8, unroll=2, carry=(cum_init,) * _CW)(
        acs_chunk)

    s_term = []
    for cw in range(_CW):
        m = cums[cw]
        for sh in (1, 2, 4, 8):
            m = jnp.minimum(m, _vgather(m, lanes ^ sh))
        cand = jnp.where(cums[cw] == m, lanes, _NS)
        for sh in (1, 2, 4, 8):
            cand = jnp.minimum(cand, _vgather(cand, lanes ^ sh))
        s_term.append(cand)

    for cw in range(_CW):
        q_v[pl.ds((cw * _T + _T - 1) * _NS, _NS)] = lanes

    def tb_step(i, qs):
        t = _T - 1 - i
        out = []
        for cw in range(_CW):
            f_t = f_v[pl.ds((cw * _T + t + 1) * _NS, _NS)]
            q = _vgather(f_t, qs[cw])
            q_v[pl.ds((cw * _T + t) * _NS, _NS)] = q
            out.append(q)
        return tuple(out)

    plsc.parallel_loop(1, _T, unroll=8, carry=(lanes,) * _CW)(tb_step)

    def extract_chunk(c):
        for cw in range(_CW):
            rows = (cw * _T + c * 16) + lanes
            states = plsc.load_gather(q_v, [rows * _NS + s_term[cw]])
            bits = lax.shift_right_logical(states, 3).astype(jnp.float32)
            bits_v[pl.ds(cw * _T + c * 16, 16)] = bits

    plsc.parallel_loop(0, _T // 16, unroll=4)(extract_chunk)

    for cw in range(_CW):
        pltpu.sync_copy(bits_v.at[pl.ds(cw * _T, _T)], out_hbm.at[row0 + cw])


@jax.jit
def kernel(inputs):
    mesh = plsc.VectorSubcoreMesh(core_axis_name="c", subcore_axis_name="s")
    run = pl.kernel(
        _viterbi_body,
        out_type=jax.ShapeDtypeStruct((_B, _T), jnp.float32),
        mesh=mesh,
        compiler_params=pltpu.CompilerParams(needs_layout_passes=False),
        scratch_types=[
            pltpu.VMEM((_CW * 2 * _T,), jnp.float32),
            pltpu.VMEM((_CW * _T * _NS,), jnp.int32),
            pltpu.VMEM((_CW * _T * _NS,), jnp.int32),
            pltpu.VMEM((_CW * _T,), jnp.float32),
        ],
    )
    return run(inputs)

# --- scband reference (transcript-rebuilt; emitter-appended) ---
"""Pipeline reference for scband-viterbi-decoder-15453292331440 (READ-ONLY COPY).

The authoritative reference and input builder live on the scoring server;
editing this copy changes nothing except your own understanding.
"""

import jax, jax.numpy as jnp
import numpy as np

GEN_POLY = ("10011", "11011")
MU = len(GEN_POLY[0])          # constraint length = 5
NS = 2 ** (MU - 1)             # 16 trellis states
CN = len(GEN_POLY)             # 2 coded bits per symbol (rate 1/2)
NI = 2                         # binary input alphabet
NO = 2 ** CN                   # 4 possible output symbols


def _build_trellis():
    G = np.array([[int(c) for c in p] for p in GEN_POLY], dtype=np.int64)  # [CN, MU]
    to_nodes = np.zeros((NS, NI), dtype=np.int32)
    out_sym = np.zeros((NS, NI), dtype=np.int32)
    for s in range(NS):
        reg = [(s >> (MU - 2 - i)) & 1 for i in range(MU - 1)]
        for b in range(NI):
            bits = np.array([b] + reg, dtype=np.int64)
            o = 0
            for j in range(CN):
                o = (o << 1) | (int(np.dot(G[j], bits)) % 2)
            to_nodes[s, b] = (b << (MU - 2)) | (s >> 1)
            out_sym[s, b] = o
    from_nodes = np.zeros((NS, NI), dtype=np.int32)
    op_by_tonode = np.zeros((NS, NI), dtype=np.int32)
    cnt = np.zeros(NS, dtype=np.int64)
    for s in range(NS):
        for b in range(NI):
            t = to_nodes[s, b]
            from_nodes[t, cnt[t]] = s
            op_by_tonode[t, cnt[t]] = out_sym[s, b]
            cnt[t] += 1
    return to_nodes, from_nodes, op_by_tonode


TO_NODES, FROM_NODES, OP_BY_TONODE = _build_trellis()
# bit decomposition of each of the NO output symbols, MSB first: [NO, CN]
SYM_BITS = np.array(
    [[(o >> (CN - 1 - j)) & 1 for j in range(CN)] for o in range(NO)],
    dtype=np.float32,
)


def setup_inputs(seed: int = 0) -> dict:
    key = jax.random.key(seed)
    inputs = jax.random.normal(key, (64, 2048), dtype=jnp.float32)
    return {"inputs": inputs}


def reference(inputs):
    B = inputs.shape[0]
    n = inputs.shape[-1]
    T = n // CN                                   # number of trellis steps
    llr = inputs.reshape(B, T, CN)
    # soft_llr branch metric: metric for hypothesized output symbol o at time t
    # is sum_j bits(o)_j * llr[t, j]; total path metric is minimized.
    sym_bits = jnp.asarray(SYM_BITS)
    bm = jnp.einsum("btj,oj->bto", llr, sym_bits)  # [B, T, NO]

    from_nodes = jnp.asarray(FROM_NODES)           # [NS, NI]
    op_idx = jnp.asarray(OP_BY_TONODE)             # [NS, NI]
    LARGE = jnp.float32(1e9)
    cum0 = jnp.full((B, NS), LARGE, dtype=jnp.float32).at[:, 0].set(0.0)

    def acs_step(cum, bm_t):
        # add: cumulative metric of prev state + branch metric of output symbol
        sum_metric = cum[:, :, None] + bm_t[:, None, :]        # [B, NS, NO]
        # gather metrics grouped by to-node (equivalent of gather_nd with ipst_op_idx)
        by_tonode = sum_metric[:, from_nodes, op_idx]          # [B, NS, NI]
        tb_idx = jnp.argmin(by_tonode, axis=-1)                # [B, NS]
        cum_t = jnp.min(by_tonode, axis=-1)                    # [B, NS]
        tb_state = from_nodes[jnp.arange(NS)[None, :], tb_idx]  # [B, NS]
        return cum_t, (cum_t, tb_state)

    bm_tm = jnp.transpose(bm, (1, 0, 2))                       # [T, B, NO]
    cum_T, (cums, tbs) = jax.lax.scan(acs_step, cum0, bm_tm)

    # traceback from optimal terminal state
    opt_term = jnp.argmin(cum_T, axis=-1).astype(jnp.int32)    # [B]

    def back_step(state, tb_t):
        prev = tb_t[jnp.arange(B), state].astype(jnp.int32)
        return prev, state

    _, path = jax.lax.scan(back_step, opt_term, tbs, reverse=True)  # [T, B], path[t] = s_{t+1}
    # input bit that drives transition into state s_{t+1} is its MSB
    bits = (path >> (MU - 2)).astype(jnp.float32)              # [T, B]
    return jnp.transpose(bits, (1, 0))                          # [B, T] = [B, rate*n]

if __name__ == "__main__":
    import jax
    _d = setup_inputs()
    print(jax.jit(kernel)(*tuple(_d.values())))

</pallas_src>

<mosaic_0001>
#map = affine_map<(d0, d1) -> (0, 0)>
module attributes {stable_mosaic.version = 14 : i64} {
  func.func @_viterbi_body(%arg0: i32, %arg1: i32, %arg2: memref<64x2048xf32, #tpu.memory_space<hbm>>, %arg3: memref<64x1024xf32, #tpu.memory_space<hbm>>, %arg4: memref<4096xf32, #tpu.memory_space<vmem>>, %arg5: memref<32768xi32, #tpu.memory_space<vmem>>, %arg6: memref<32768xi32, #tpu.memory_space<vmem>>, %arg7: memref<2048xf32, #tpu.memory_space<vmem>>) attributes {dimension_semantics = [#tpu.dimension_semantics<core_parallel>, #tpu.dimension_semantics<subcore_parallel>], iteration_bounds = array<i64: 2, 16>, scalar_prefetch = 0 : i64, scratch_operands = 4 : i64, tpu.core_type = #tpu.core_type<sc_vector_subcore>, window_params = [{transform_indices = #map}, {transform_indices = #map}]} {
    %mul3A = arith.constant 2 : i32
    %mul3A_0 = arith.muli %arg1, %mul3A : i32
    %add3A = arith.addi %mul3A_0, %arg0 : i32
    %mul3A_1 = arith.constant 2 : i32
    %mul3A_2 = arith.muli %add3A, %mul3A_1 : i32
    %iota3A = tpu.iota {dimensions = array<i32: 0>} : vector<16xi32>
    %shift_right_logical3A = arith.constant 3 : i32
    %shift_right_logical3A_3 = vector.broadcast %shift_right_logical3A : i32 to vector<16xi32>
    %shift_right_logical3A_4 = arith.shrui %iota3A, %shift_right_logical3A_3 : vector<16xi32>
    %and3A = arith.constant 1 : i32
    %and3A_5 = vector.broadcast %and3A : i32 to vector<16xi32>
    %and3A_6 = arith.andi %shift_right_logical3A_4, %and3A_5 : vector<16xi32>
    %and3A_7 = arith.constant 1 : i32
    %and3A_8 = vector.broadcast %and3A_7 : i32 to vector<16xi32>
    %and3A_9 = arith.andi %iota3A, %and3A_8 : vector<16xi32>
    %shift_right_logical3A_10 = arith.constant 2 : i32
    %shift_right_logical3A_11 = vector.broadcast %shift_right_logical3A_10 : i32 to vector<16xi32>
    %shift_right_logical3A_12 = arith.shrui %iota3A, %shift_right_logical3A_11 : vector<16xi32>
    %and3A_13 = arith.constant 1 : i32
    %and3A_14 = vector.broadcast %and3A_13 : i32 to vector<16xi32>
    %and3A_15 = arith.andi %shift_right_logical3A_12, %and3A_14 : vector<16xi32>
    %xor3A = arith.xori %and3A_6, %and3A_9 : vector<16xi32>
    %convert_element_type3A = arith.sitofp %xor3A : vector<16xi32> to vector<16xf32>
    %xor3A_16 = arith.xori %and3A_6, %and3A_15 : vector<16xi32>
    %xor3A_17 = arith.xori %xor3A_16, %and3A_9 : vector<16xi32>
    %convert_element_type3A_18 = arith.sitofp %xor3A_17 : vector<16xi32> to vector<16xf32>
    %sub3A = arith.constant 1.000000e+00 : f32
    %sub3A_19 = vector.broadcast %sub3A : f32 to vector<16xf32>
    %sub3A_20 = arith.subf %sub3A_19, %convert_element_type3A : vector<16xf32>
    %sub3A_21 = arith.constant 1.000000e+00 : f32
    %sub3A_22 = vector.broadcast %sub3A_21 : f32 to vector<16xf32>
    %sub3A_23 = arith.subf %sub3A_22, %convert_element_type3A_18 : vector<16xf32>
    %and3A_24 = arith.constant 7 : i32
    %and3A_25 = vector.broadcast %and3A_24 : i32 to vector<16xi32>
    %and3A_26 = arith.andi %iota3A, %and3A_25 : vector<16xi32>
    %mul3A_27 = arith.constant 2 : i32
    %mul3A_28 = vector.broadcast %mul3A_27 : i32 to vector<16xi32>
    %mul3A_29 = arith.muli %mul3A_28, %and3A_26 : vector<16xi32>
    %add3A_30 = arith.constant 0 : i32
    %add3A_31 = arith.addi %mul3A_2, %add3A_30 : i32
    "tpu.region"() ({
      %run_scoped3A = tpu.sem_alloc : memref<!tpu.dma_semaphore, #tpu.memory_space<semaphore_mem>>
      %dma_start3A = arith.constant 0 : i32
      %dma_start3A_173 = tpu.memref_slice %arg4[%dma_start3A] : memref<4096xf32, #tpu.memory_space<vmem>> -> memref<2048xf32, #tpu.memory_space<vmem>>
      %dma_start3A_174 = arith.constant 0 : i32
      %dma_start3A_175 = tpu.memref_slice %arg2[%add3A_31, %dma_start3A_174] : memref<64x2048xf32, #tpu.memory_space<hbm>> -> memref<1x2048xf32, #tpu.memory_space<hbm>>
      %dma_start3A_176 = tpu.memref_squeeze %dma_start3A_175 : memref<1x2048xf32, #tpu.memory_space<hbm>> -> memref<2048xf32, #tpu.memory_space<hbm>>
      %dma_start3A_177 = arith.constant 0 : i32
      %dma_start3A_178 = tpu.memref_slice %arg4[%dma_start3A_177] : memref<4096xf32, #tpu.memory_space<vmem>> -> memref<2048xf32, #tpu.memory_space<vmem>>
      %dma_start3A_179 = arith.constant 0 : i32
      %dma_start3A_180 = tpu.memref_slice %arg2[%add3A_31, %dma_start3A_179] : memref<64x2048xf32, #tpu.memory_space<hbm>> -> memref<1x2048xf32, #tpu.memory_space<hbm>>
      %dma_start3A_181 = tpu.memref_squeeze %dma_start3A_180 : memref<1x2048xf32, #tpu.memory_space<hbm>> -> memref<2048xf32, #tpu.memory_space<hbm>>
      tpu.enqueue_dma source(%dma_start3A_181 : memref<2048xf32, #tpu.memory_space<hbm>>) target(%dma_start3A_178 : memref<2048xf32, #tpu.memory_space<vmem>>) target_semaphore(%run_scoped3A : memref<!tpu.dma_semaphore, #tpu.memory_space<semaphore_mem>>)
      %dma_wait3A = arith.constant 0 : i32
      %dma_wait3A_182 = tpu.memref_slice %arg4[%dma_wait3A] : memref<4096xf32, #tpu.memory_space<vmem>> -> memref<2048xf32, #tpu.memory_space<vmem>>
      %dma_wait3A_183 = arith.constant 0 : i32
      %dma_wait3A_184 = tpu.memref_slice %arg2[%add3A_31, %dma_wait3A_183] : memref<64x2048xf32, #tpu.memory_space<hbm>> -> memref<1x2048xf32, #tpu.memory_space<hbm>>
      %dma_wait3A_185 = tpu.memref_squeeze %dma_wait3A_184 : memref<1x2048xf32, #tpu.memory_space<hbm>> -> memref<2048xf32, #tpu.memory_space<hbm>>
      %dma_wait3A_186 = arith.constant 0 : i32
      %dma_wait3A_187 = tpu.memref_slice %arg4[%dma_wait3A_186] : memref<4096xf32, #tpu.memory_space<vmem>> -> memref<2048xf32, #tpu.memory_space<vmem>>
      %dma_wait3A_188 = arith.constant 0 : i32
      %dma_wait3A_189 = tpu.memref_slice %arg2[%add3A_31, %dma_wait3A_188] : memref<64x2048xf32, #tpu.memory_space<hbm>> -> memref<1x2048xf32, #tpu.memory_space<hbm>>
      %dma_wait3A_190 = tpu.memref_squeeze %dma_wait3A_189 : memref<1x2048xf32, #tpu.memory_space<hbm>> -> memref<2048xf32, #tpu.memory_space<hbm>>
      tpu.wait_dma2 semaphore(%run_scoped3A : memref<!tpu.dma_semaphore, #tpu.memory_space<semaphore_mem>>) src(%dma_wait3A_190 : memref<2048xf32, #tpu.memory_space<hbm>>) dst(%dma_wait3A_187 : memref<2048xf32, #tpu.memory_space<vmem>>)
      tpu.yield
    }) : () -> ()
    %add3A_32 = arith.constant 1 : i32
    %add3A_33 = arith.addi %mul3A_2, %add3A_32 : i32
    "tpu.region"() ({
      %run_scoped3A = tpu.sem_alloc : memref<!tpu.dma_semaphore, #tpu.memory_space<semaphore_mem>>
      %dma_start3A = arith.constant 2048 : i32
      %dma_start3A_173 = tpu.memref_slice %arg4[%dma_start3A] : memref<4096xf32, #tpu.memory_space<vmem>> -> memref<2048xf32, #tpu.memory_space<vmem>>
      %dma_start3A_174 = arith.constant 0 : i32
      %dma_start3A_175 = tpu.memref_slice %arg2[%add3A_33, %dma_start3A_174] : memref<64x2048xf32, #tpu.memory_space<hbm>> -> memref<1x2048xf32, #tpu.memory_space<hbm>>
      %dma_start3A_176 = tpu.memref_squeeze %dma_start3A_175 : memref<1x2048xf32, #tpu.memory_space<hbm>> -> memref<2048xf32, #tpu.memory_space<hbm>>
      %dma_start3A_177 = arith.constant 2048 : i32
      %dma_start3A_178 = tpu.memref_slice %arg4[%dma_start3A_177] : memref<4096xf32, #tpu.memory_space<vmem>> -> memref<2048xf32, #tpu.memory_space<vmem>>
      %dma_start3A_179 = arith.constant 0 : i32
      %dma_start3A_180 = tpu.memref_slice %arg2[%add3A_33, %dma_start3A_179] : memref<64x2048xf32, #tpu.memory_space<hbm>> -> memref<1x2048xf32, #tpu.memory_space<hbm>>
      %dma_start3A_181 = tpu.memref_squeeze %dma_start3A_180 : memref<1x2048xf32, #tpu.memory_space<hbm>> -> memref<2048xf32, #tpu.memory_space<hbm>>
      tpu.enqueue_dma source(%dma_start3A_181 : memref<2048xf32, #tpu.memory_space<hbm>>) target(%dma_start3A_178 : memref<2048xf32, #tpu.memory_space<vmem>>) target_semaphore(%run_scoped3A : memref<!tpu.dma_semaphore, #tpu.memory_space<semaphore_mem>>)
      %dma_wait3A = arith.constant 2048 : i32
      %dma_wait3A_182 = tpu.memref_slice %arg4[%dma_wait3A] : memref<4096xf32, #tpu.memory_space<vmem>> -> memref<2048xf32, #tpu.memory_space<vmem>>
      %dma_wait3A_183 = arith.constant 0 : i32
      %dma_wait3A_184 = tpu.memref_slice %arg2[%add3A_33, %dma_wait3A_183] : memref<64x2048xf32, #tpu.memory_space<hbm>> -> memref<1x2048xf32, #tpu.memory_space<hbm>>
      %dma_wait3A_185 = tpu.memref_squeeze %dma_wait3A_184 : memref<1x2048xf32, #tpu.memory_space<hbm>> -> memref<2048xf32, #tpu.memory_space<hbm>>
      %dma_wait3A_186 = arith.constant 2048 : i32
      %dma_wait3A_187 = tpu.memref_slice %arg4[%dma_wait3A_186] : memref<4096xf32, #tpu.memory_space<vmem>> -> memref<2048xf32, #tpu.memory_space<vmem>>
      %dma_wait3A_188 = arith.constant 0 : i32
      %dma_wait3A_189 = tpu.memref_slice %arg2[%add3A_33, %dma_wait3A_188] : memref<64x2048xf32, #tpu.memory_space<hbm>> -> memref<1x2048xf32, #tpu.memory_space<hbm>>
      %dma_wait3A_190 = tpu.memref_squeeze %dma_wait3A_189 : memref<1x2048xf32, #tpu.memory_space<hbm>> -> memref<2048xf32, #tpu.memory_space<hbm>>
      tpu.wait_dma2 semaphore(%run_scoped3A : memref<!tpu.dma_semaphore, #tpu.memory_space<semaphore_mem>>) src(%dma_wait3A_190 : memref<2048xf32, #tpu.memory_space<hbm>>) dst(%dma_wait3A_187 : memref<2048xf32, #tpu.memory_space<vmem>>)
      tpu.yield
    }) : () -> ()
    %eq3A = arith.constant 0 : i32
    %eq3A_34 = vector.broadcast %eq3A : i32 to vector<16xi32>
    %eq3A_35 = arith.cmpi eq, %iota3A, %eq3A_34 : vector<16xi32>
    %jit3A = arith.constant 0.000000e+00 : f32
    %jit3A_36 = arith.constant 1.000000e+09 : f32
    %broadcast_in_dim3A = vector.broadcast %jit3A : f32 to vector<16xf32>
    %broadcast_in_dim3A_37 = vector.broadcast %jit3A_36 : f32 to vector<16xf32>
    %select_n3A = arith.select %eq3A_35, %broadcast_in_dim3A, %broadcast_in_dim3A_37 : vector<16xi1>, vector<16xf32>
    %parallel_loop3A = arith.constant 0 : i32
    %parallel_loop3A_38 = arith.constant 128 : i32
    %parallel_loop3A_39 = arith.constant 1 : i32
    %parallel_loop3A_40:2 = scf.for %parallel_loop3A_173 = %parallel_loop3A to %parallel_loop3A_38 step %parallel_loop3A_39 iter_args(%parallel_loop3A_174 = %select_n3A, %parallel_loop3A_175 = %select_n3A) -> (vector<16xf32>, vector<16xf32>)  : i32 {
      %parallel_loop3A_176 = arith.constant 16 : i32
      %parallel_loop3A_177 = arith.muli %parallel_loop3A_173, %parallel_loop3A_176 : i32
      %parallel_loop3A_178 = arith.constant 0 : i32
      %parallel_loop3A_179 = arith.addi %parallel_loop3A_178, %parallel_loop3A_177 : i32
      %parallel_loop3A_180 = arith.index_cast %parallel_loop3A_179 : i32 to index
      %parallel_loop3A_181 = tpu.vector_load %arg4[%parallel_loop3A_180] {strides = array<i32>} : memref<4096xf32, #tpu.memory_space<vmem>>, vector<16xf32>,
      %parallel_loop3A_182 = tpu.bitcast %parallel_loop3A_181 : vector<16xf32> -> vector<16xi32>
      %parallel_loop3A_183 = arith.constant 32767 : i32
      %parallel_loop3A_184 = vector.broadcast %parallel_loop3A_183 : i32 to vector<16xi32>
      %parallel_loop3A_185 = arith.addi %parallel_loop3A_182, %parallel_loop3A_184 : vector<16xi32>
      %parallel_loop3A_186 = arith.constant 16 : i32
      %parallel_loop3A_187 = vector.broadcast %parallel_loop3A_186 : i32 to vector<16xi32>
      %parallel_loop3A_188 = arith.shrsi %parallel_loop3A_182, %parallel_loop3A_187 : vector<16xi32>
      %parallel_loop3A_189 = arith.constant 1 : i32
      %parallel_loop3A_190 = vector.broadcast %parallel_loop3A_189 : i32 to vector<16xi32>
      %parallel_loop3A_191 = arith.andi %parallel_loop3A_188, %parallel_loop3A_190 : vector<16xi32>
      %parallel_loop3A_192 = arith.addi %parallel_loop3A_185, %parallel_loop3A_191 : vector<16xi32>
      %parallel_loop3A_193 = arith.constant 16 : i32
      %parallel_loop3A_194 = vector.broadcast %parallel_loop3A_193 : i32 to vector<16xi32>
      %parallel_loop3A_195 = arith.shrsi %parallel_loop3A_192, %parallel_loop3A_194 : vector<16xi32>
      %parallel_loop3A_196 = arith.constant 16 : i32
      %parallel_loop3A_197 = vector.broadcast %parallel_loop3A_196 : i32 to vector<16xi32>
      %parallel_loop3A_198 = arith.shli %parallel_loop3A_195, %parallel_loop3A_197 : vector<16xi32>
      %parallel_loop3A_199 = tpu.bitcast %parallel_loop3A_198 : vector<16xi32> -> vector<16xf32>
      %parallel_loop3A_200 = arith.constant 0 : i32
      %parallel_loop3A_201 = vector.broadcast %parallel_loop3A_200 : i32 to vector<16xi32>
      %parallel_loop3A_202 = vector.shape_cast %parallel_loop3A_201 : vector<16xi32> to vector<16x1xi32>
      %parallel_loop3A_203 = vector.shape_cast %parallel_loop3A_202 : vector<16x1xi32> to vector<16xi32>
      %parallel_loop3A_204 = tpu.dynamic_gather %parallel_loop3A_199[%parallel_loop3A_203] in [0] : vector<16xf32>, vector<16xi32> -> vector<16xf32>
      %parallel_loop3A_205 = arith.constant 1 : i32
      %parallel_loop3A_206 = vector.broadcast %parallel_loop3A_205 : i32 to vector<16xi32>
      %parallel_loop3A_207 = vector.shape_cast %parallel_loop3A_206 : vector<16xi32> to vector<16x1xi32>
      %parallel_loop3A_208 = vector.shape_cast %parallel_loop3A_207 : vector<16x1xi32> to vector<16xi32>
      %parallel_loop3A_209 = tpu.dynamic_gather %parallel_loop3A_199[%parallel_loop3A_208] in [0] : vector<16xf32>, vector<16xi32> -> vector<16xf32>
      %parallel_loop3A_210 = arith.mulf %convert_element_type3A, %parallel_loop3A_204 : vector<16xf32>
      %parallel_loop3A_211 = arith.mulf %convert_element_type3A_18, %parallel_loop3A_209 : vector<16xf32>
      %parallel_loop3A_212 = arith.addf %parallel_loop3A_210, %parallel_loop3A_211 : vector<16xf32>
      %parallel_loop3A_213 = arith.mulf %sub3A_20, %parallel_loop3A_204 : vector<16xf32>
      %parallel_loop3A_214 = arith.mulf %sub3A_23, %parallel_loop3A_209 : vector<16xf32>
      %parallel_loop3A_215 = arith.addf %parallel_loop3A_213, %parallel_loop3A_214 : vector<16xf32>
      %parallel_loop3A_216 = vector.shape_cast %mul3A_29 : vector<16xi32> to vector<16x1xi32>
      %parallel_loop3A_217 = vector.shape_cast %parallel_loop3A_216 : vector<16x1xi32> to vector<16xi32>
      %parallel_loop3A_218 = tpu.dynamic_gather %parallel_loop3A_174[%parallel_loop3A_217] in [0] : vector<16xf32>, vector<16xi32> -> vector<16xf32>
      %parallel_loop3A_219 = arith.addf %parallel_loop3A_218, %parallel_loop3A_212 : vector<16xf32>
      %parallel_loop3A_220 = arith.constant 1 : i32
      %parallel_loop3A_221 = vector.broadcast %parallel_loop3A_220 : i32 to vector<16xi32>
      %parallel_loop3A_222 = arith.addi %mul3A_29, %parallel_loop3A_221 : vector<16xi32>
      %parallel_loop3A_223 = vector.shape_cast %parallel_loop3A_222 : vector<16xi32> to vector<16x1xi32>
      %parallel_loop3A_224 = vector.shape_cast %parallel_loop3A_223 : vector<16x1xi32> to vector<16xi32>
      %parallel_loop3A_225 = tpu.dynamic_gather %parallel_loop3A_174[%parallel_loop3A_224] in [0] : vector<16xf32>, vector<16xi32> -> vector<16xf32>
      %parallel_loop3A_226 = arith.addf %parallel_loop3A_225, %parallel_loop3A_215 : vector<16xf32>
      %parallel_loop3A_227 = arith.cmpf olt, %parallel_loop3A_226, %parallel_loop3A_219 : vector<16xf32>
      %parallel_loop3A_228 = arith.constant 1 : i32
      %parallel_loop3A_229 = arith.constant 0 : i32
      %parallel_loop3A_230 = vector.broadcast %parallel_loop3A_228 : i32 to vector<16xi32>
      %parallel_loop3A_231 = vector.broadcast %parallel_loop3A_229 : i32 to vector<16xi32>
      %parallel_loop3A_232 = arith.select %parallel_loop3A_227, %parallel_loop3A_230, %parallel_loop3A_231 : vector<16xi1>, vector<16xi32>
      %parallel_loop3A_233 = arith.minimumf %parallel_loop3A_219, %parallel_loop3A_226 : vector<16xf32>
      %parallel_loop3A_234 = arith.addi %mul3A_29, %parallel_loop3A_232 : vector<16xi32>
      %parallel_loop3A_235 = arith.constant 8 : i32
      %parallel_loop3A_236 = arith.muli %parallel_loop3A_173, %parallel_loop3A_235 : i32
      %parallel_loop3A_237 = arith.constant 0 : i32
      %parallel_loop3A_238 = arith.addi %parallel_loop3A_237, %parallel_loop3A_236 : i32
      %parallel_loop3A_239 = arith.constant 0 : i32
      %parallel_loop3A_240 = arith.addi %parallel_loop3A_238, %parallel_loop3A_239 : i32
      %parallel_loop3A_241 = arith.constant 16 : i32
      %parallel_loop3A_242 = arith.muli %parallel_loop3A_240, %parallel_loop3A_241 : i32
      %parallel_loop3A_243 = arith.index_cast %parallel_loop3A_242 : i32 to index
      %parallel_loop3A_244 = tpu.vector_load %arg5[%parallel_loop3A_243] {strides = array<i32>} : memref<32768xi32, #tpu.memory_space<vmem>>, vector<16xi32>,
      tpu.vector_store %arg5[%parallel_loop3A_243], %parallel_loop3A_234 {strides = array<i32>} : memref<32768xi32, #tpu.memory_space<vmem>>, vector<16xi32>,
      %parallel_loop3A_245 = arith.constant 2 : i32
      %parallel_loop3A_246 = vector.broadcast %parallel_loop3A_245 : i32 to vector<16xi32>
      %parallel_loop3A_247 = vector.shape_cast %parallel_loop3A_246 : vector<16xi32> to vector<16x1xi32>
      %parallel_loop3A_248 = vector.shape_cast %parallel_loop3A_247 : vector<16x1xi32> to vector<16xi32>
      %parallel_loop3A_249 = tpu.dynamic_gather %parallel_loop3A_199[%parallel_loop3A_248] in [0] : vector<16xf32>, vector<16xi32> -> vector<16xf32>
      %parallel_loop3A_250 = arith.constant 3 : i32
      %parallel_loop3A_251 = vector.broadcast %parallel_loop3A_250 : i32 to vector<16xi32>
      %parallel_loop3A_252 = vector.shape_cast %parallel_loop3A_251 : vector<16xi32> to vector<16x1xi32>
      %parallel_loop3A_253 = vector.shape_cast %parallel_loop3A_252 : vector<16x1xi32> to vector<16xi32>
      %parallel_loop3A_254 = tpu.dynamic_gather %parallel_loop3A_199[%parallel_loop3A_253] in [0] : vector<16xf32>, vector<16xi32> -> vector<16xf32>
      %parallel_loop3A_255 = arith.mulf %convert_element_type3A, %parallel_loop3A_249 : vector<16xf32>
      %parallel_loop3A_256 = arith.mulf %convert_element_type3A_18, %parallel_loop3A_254 : vector<16xf32>
      %parallel_loop3A_257 = arith.addf %parallel_loop3A_255, %parallel_loop3A_256 : vector<16xf32>
      %parallel_loop3A_258 = arith.mulf %sub3A_20, %parallel_loop3A_249 : vector<16xf32>
      %parallel_loop3A_259 = arith.mulf %sub3A_23, %parallel_loop3A_254 : vector<16xf32>
      %parallel_loop3A_260 = arith.addf %parallel_loop3A_258, %parallel_loop3A_259 : vector<16xf32>
      %parallel_loop3A_261 = vector.shape_cast %mul3A_29 : vector<16xi32> to vector<16x1xi32>
      %parallel_loop3A_262 = vector.shape_cast %parallel_loop3A_261 : vector<16x1xi32> to vector<16xi32>
      %parallel_loop3A_263 = tpu.dynamic_gather %parallel_loop3A_233[%parallel_loop3A_262] in [0] : vector<16xf32>, vector<16xi32> -> vector<16xf32>
      %parallel_loop3A_264 = arith.addf %parallel_loop3A_263, %parallel_loop3A_257 : vector<16xf32>
      %parallel_loop3A_265 = arith.constant 1 : i32
      %parallel_loop3A_266 = vector.broadcast %parallel_loop3A_265 : i32 to vector<16xi32>
      %parallel_loop3A_267 = arith.addi %mul3A_29, %parallel_loop3A_266 : vector<16xi32>
      %parallel_loop3A_268 = vector.shape_cast %parallel_loop3A_267 : vector<16xi32> to vector<16x1xi32>
      %parallel_loop3A_269 = vector.shape_cast %parallel_loop3A_268 : vector<16x1xi32> to vector<16xi32>
      %parallel_loop3A_270 = tpu.dynamic_gather %parallel_loop3A_233[%parallel_loop3A_269] in [0] : vector<16xf32>, vector<16xi32> -> vector<16xf32>
      %parallel_loop3A_271 = arith.addf %parallel_loop3A_270, %parallel_loop3A_260 : vector<16xf32>
      %parallel_loop3A_272 = arith.cmpf olt, %parallel_loop3A_271, %parallel_loop3A_264 : vector<16xf32>
      %parallel_loop3A_273 = arith.constant 1 : i32
      %parallel_loop3A_274 = arith.constant 0 : i32
      %parallel_loop3A_275 = vector.broadcast %parallel_loop3A_273 : i32 to vector<16xi32>
      %parallel_loop3A_276 = vector.broadcast %parallel_loop3A_274 : i32 to vector<16xi32>
      %parallel_loop3A_277 = arith.select %parallel_loop3A_272, %parallel_loop3A_275, %parallel_loop3A_276 : vector<16xi1>, vector<16xi32>
      %parallel_loop3A_278 = arith.minimumf %parallel_loop3A_264, %parallel_loop3A_271 : vector<16xf32>
      %parallel_loop3A_279 = arith.addi %mul3A_29, %parallel_loop3A_277 : vector<16xi32>
      %parallel_loop3A_280 = arith.constant 8 : i32
      %parallel_loop3A_281 = arith.muli %parallel_loop3A_173, %parallel_loop3A_280 : i32
      %parallel_loop3A_282 = arith.constant 0 : i32
      %parallel_loop3A_283 = arith.addi %parallel_loop3A_282, %parallel_loop3A_281 : i32
      %parallel_loop3A_284 = arith.constant 1 : i32
      %parallel_loop3A_285 = arith.addi %parallel_loop3A_283, %parallel_loop3A_284 : i32
      %parallel_loop3A_286 = arith.constant 16 : i32
      %parallel_loop3A_287 = arith.muli %parallel_loop3A_285, %parallel_loop3A_286 : i32
      %parallel_loop3A_288 = arith.index_cast %parallel_loop3A_287 : i32 to index
      %parallel_loop3A_289 = tpu.vector_load %arg5[%parallel_loop3A_288] {strides = array<i32>} : memref<32768xi32, #tpu.memory_space<vmem>>, vector<16xi32>,
      tpu.vector_store %arg5[%parallel_loop3A_288], %parallel_loop3A_279 {strides = array<i32>} : memref<32768xi32, #tpu.memory_space<vmem>>, vector<16xi32>,
      %parallel_loop3A_290 = arith.constant 4 : i32
      %parallel_loop3A_291 = vector.broadcast %parallel_loop3A_290 : i32 to vector<16xi32>
      %parallel_loop3A_292 = vector.shape_cast %parallel_loop3A_291 : vector<16xi32> to vector<16x1xi32>
      %parallel_loop3A_293 = vector.shape_cast %parallel_loop3A_292 : vector<16x1xi32> to vector<16xi32>
      %parallel_loop3A_294 = tpu.dynamic_gather %parallel_loop3A_199[%parallel_loop3A_293] in [0] : vector<16xf32>, vector<16xi32> -> vector<16xf32>
      %parallel_loop3A_295 = arith.constant 5 : i32
      %parallel_loop3A_296 = vector.broadcast %parallel_loop3A_295 : i32 to vector<16xi32>
      %parallel_loop3A_297 = vector.shape_cast %parallel_loop3A_296 : vector<16xi32> to vector<16x1xi32>
      %parallel_loop3A_298 = vector.shape_cast %parallel_loop3A_297 : vector<16x1xi32> to vector<16xi32>
      %parallel_loop3A_299 = tpu.dynamic_gather %parallel_loop3A_199[%parallel_loop3A_298] in [0] : vector<16xf32>, vector<16xi32> -> vector<16xf32>
      %parallel_loop3A_300 = arith.mulf %convert_element_type3A, %parallel_loop3A_294 : vector<16xf32>
      %parallel_loop3A_301 = arith.mulf %convert_element_type3A_18, %parallel_loop3A_299 : vector<16xf32>
      %parallel_loop3A_302 = arith.addf %parallel_loop3A_300, %parallel_loop3A_301 : vector<16xf32>
      %parallel_loop3A_303 = arith.mulf %sub3A_20, %parallel_loop3A_294 : vector<16xf32>
      %parallel_loop3A_304 = arith.mulf %sub3A_23, %parallel_loop3A_299 : vector<16xf32>
      %parallel_loop3A_305 = arith.addf %parallel_loop3A_303, %parallel_loop3A_304 : vector<16xf32>
      %parallel_loop3A_306 = vector.shape_cast %mul3A_29 : vector<16xi32> to vector<16x1xi32>
      %parallel_loop3A_307 = vector.shape_cast %parallel_loop3A_306 : vector<16x1xi32> to vector<16xi32>
      %parallel_loop3A_308 = tpu.dynamic_gather %parallel_loop3A_278[%parallel_loop3A_307] in [0] : vector<16xf32>, vector<16xi32> -> vector<16xf32>
      %parallel_loop3A_309 = arith.addf %parallel_loop3A_308, %parallel_loop3A_302 : vector<16xf32>
      %parallel_loop3A_310 = arith.constant 1 : i32
      %parallel_loop3A_311 = vector.broadcast %parallel_loop3A_310 : i32 to vector<16xi32>
      %parallel_loop3A_312 = arith.addi %mul3A_29, %parallel_loop3A_311 : vector<16xi32>
      %parallel_loop3A_313 = vector.shape_cast %parallel_loop3A_312 : vector<16xi32> to vector<16x1xi32>
      %parallel_loop3A_314 = vector.shape_cast %parallel_loop3A_313 : vector<16x1xi32> to vector<16xi32>
      %parallel_loop3A_315 = tpu.dynamic_gather %parallel_loop3A_278[%parallel_loop3A_314] in [0] : vector<16xf32>, vector<16xi32> -> vector<16xf32>
      %parallel_loop3A_316 = arith.addf %parallel_loop3A_315, %parallel_loop3A_305 : vector<16xf32>
      %parallel_loop3A_317 = arith.cmpf olt, %parallel_loop3A_316, %parallel_loop3A_309 : vector<16xf32>
      %parallel_loop3A_318 = arith.constant 1 : i32
      %parallel_loop3A_319 = arith.constant 0 : i32
      %parallel_loop3A_320 = vector.broadcast %parallel_loop3A_318 : i32 to vector<16xi32>
      %parallel_loop3A_321 = vector.broadcast %parallel_loop3A_319 : i32 to vector<16xi32>
      %parallel_loop3A_322 = arith.select %parallel_loop3A_317, %parallel_loop3A_320, %parallel_loop3A_321 : vector<16xi1>, vector<16xi32>
      %parallel_loop3A_323 = arith.minimumf %parallel_loop3A_309, %parallel_loop3A_316 : vector<16xf32>
      %parallel_loop3A_324 = arith.addi %mul3A_29, %parallel_loop3A_322 : vector<16xi32>
      %parallel_loop3A_325 = arith.constant 8 : i32
      %parallel_loop3A_326 = arith.muli %parallel_loop3A_173, %parallel_loop3A_325 : i32
      %parallel_loop3A_327 = arith.constant 0 : i32
      %parallel_loop3A_328 = arith.addi %parallel_loop3A_327, %parallel_loop3A_326 : i32
      %parallel_loop3A_329 = arith.constant 2 : i32
      %parallel_loop3A_330 = arith.addi %parallel_loop3A_328, %parallel_loop3A_329 : i32
      %parallel_loop3A_331 = arith.constant 16 : i32
      %parallel_loop3A_332 = arith.muli %parallel_loop3A_330, %parallel_loop3A_331 : i32
      %parallel_loop3A_333 = arith.index_cast %parallel_loop3A_332 : i32 to index
      %parallel_loop3A_334 = tpu.vector_load %arg5[%parallel_loop3A_333] {strides = array<i32>} : memref<32768xi32, #tpu.memory_space<vmem>>, vector<16xi32>,
      tpu.vector_store %arg5[%parallel_loop3A_333], %parallel_loop3A_324 {strides = array<i32>} : memref<32768xi32, #tpu.memory_space<vmem>>, vector<16xi32>,
      %parallel_loop3A_335 = arith.constant 6 : i32
      %parallel_loop3A_336 = vector.broadcast %parallel_loop3A_335 : i32 to vector<16xi32>
      %parallel_loop3A_337 = vector.shape_cast %parallel_loop3A_336 : vector<16xi32> to vector<16x1xi32>
      %parallel_loop3A_338 = vector.shape_cast %parallel_loop3A_337 : vector<16x1xi32> to vector<16xi32>
      %parallel_loop3A_339 = tpu.dynamic_gather %parallel_loop3A_199[%parallel_loop3A_338] in [0] : vector<16xf32>, vector<16xi32> -> vector<16xf32>
      %parallel_loop3A_340 = arith.constant 7 : i32
      %parallel_loop3A_341 = vector.broadcast %parallel_loop3A_340 : i32 to vector<16xi32>
      %parallel_loop3A_342 = vector.shape_cast %parallel_loop3A_341 : vector<16xi32> to vector<16x1xi32>
      %parallel_loop3A_343 = vector.shape_cast %parallel_loop3A_342 : vector<16x1xi32> to vector<16xi32>
      %parallel_loop3A_344 = tpu.dynamic_gather %parallel_loop3A_199[%parallel_loop3A_343] in [0] : vector<16xf32>, vector<16xi32> -> vector<16xf32>
      %parallel_loop3A_345 = arith.mulf %convert_element_type3A, %parallel_loop3A_339 : vector<16xf32>
      %parallel_loop3A_346 = arith.mulf %convert_element_type3A_18, %parallel_loop3A_344 : vector<16xf32>
      %parallel_loop3A_347 = arith.addf %parallel_loop3A_345, %parallel_loop3A_346 : vector<16xf32>
      %parallel_loop3A_348 = arith.mulf %sub3A_20, %parallel_loop3A_339 : vector<16xf32>
      %parallel_loop3A_349 = arith.mulf %sub3A_23, %parallel_loop3A_344 : vector<16xf32>
      %parallel_loop3A_350 = arith.addf %parallel_loop3A_348, %parallel_loop3A_349 : vector<16xf32>
      %parallel_loop3A_351 = vector.shape_cast %mul3A_29 : vector<16xi32> to vector<16x1xi32>
      %parallel_loop3A_352 = vector.shape_cast %parallel_loop3A_351 : vector<16x1xi32> to vector<16xi32>
      %parallel_loop3A_353 = tpu.dynamic_gather %parallel_loop3A_323[%parallel_loop3A_352] in [0] : vector<16xf32>, vector<16xi32> -> vector<16xf32>
      %parallel_loop3A_354 = arith.addf %parallel_loop3A_353, %parallel_loop3A_347 : vector<16xf32>
      %parallel_loop3A_355 = arith.constant 1 : i32
      %parallel_loop3A_356 = vector.broadcast %parallel_loop3A_355 : i32 to vector<16xi32>
      %parallel_loop3A_357 = arith.addi %mul3A_29, %parallel_loop3A_356 : vector<16xi32>
      %parallel_loop3A_358 = vector.shape_cast %parallel_loop3A_357 : vector<16xi32> to vector<16x1xi32>
      %parallel_loop3A_359 = vector.shape_cast %parallel_loop3A_358 : vector<16x1xi32> to vector<16xi32>
      %parallel_loop3A_360 = tpu.dynamic_gather %parallel_loop3A_323[%parallel_loop3A_359] in [0] : vector<16xf32>, vector<16xi32> -> vector<16xf32>
      %parallel_loop3A_361 = arith.addf %parallel_loop3A_360, %parallel_loop3A_350 : vector<16xf32>
      %parallel_loop3A_362 = arith.cmpf olt, %parallel_loop3A_361, %parallel_loop3A_354 : vector<16xf32>
      %parallel_loop3A_363 = arith.constant 1 : i32
      %parallel_loop3A_364 = arith.constant 0 : i32
      %parallel_loop3A_365 = vector.broadcast %parallel_loop3A_363 : i32 to vector<16xi32>
      %parallel_loop3A_366 = vector.broadcast %parallel_loop3A_364 : i32 to vector<16xi32>
      %parallel_loop3A_367 = arith.select %parallel_loop3A_362, %parallel_loop3A_365, %parallel_loop3A_366 : vector<16xi1>, vector<16xi32>
      %parallel_loop3A_368 = arith.minimumf %parallel_loop3A_354, %parallel_loop3A_361 : vector<16xf32>
      %parallel_loop3A_369 = arith.addi %mul3A_29, %parallel_loop3A_367 : vector<16xi32>
      %parallel_loop3A_370 = arith.constant 8 : i32
      %parallel_loop3A_371 = arith.muli %parallel_loop3A_173, %parallel_loop3A_370 : i32
      %parallel_loop3A_372 = arith.constant 0 : i32
      %parallel_loop3A_373 = arith.addi %parallel_loop3A_372, %parallel_loop3A_371 : i32
      %parallel_loop3A_374 = arith.constant 3 : i32
      %parallel_loop3A_375 = arith.addi %parallel_loop3A_373, %parallel_loop3A_374 : i32
      %parallel_loop3A_376 = arith.constant 16 : i32
      %parallel_loop3A_377 = arith.muli %parallel_loop3A_375, %parallel_loop3A_376 : i32
      %parallel_loop3A_378 = arith.index_cast %parallel_loop3A_377 : i32 to index
      %parallel_loop3A_379 = tpu.vector_load %arg5[%parallel_loop3A_378] {strides = array<i32>} : memref<32768xi32, #tpu.memory_space<vmem>>, vector<16xi32>,
      tpu.vector_store %arg5[%parallel_loop3A_378], %parallel_loop3A_369 {strides = array<i32>} : memref<32768xi32, #tpu.memory_space<vmem>>, vector<16xi32>,
      %parallel_loop3A_380 = arith.constant 8 : i32
      %parallel_loop3A_381 = vector.broadcast %parallel_loop3A_380 : i32 to vector<16xi32>
      %parallel_loop3A_382 = vector.shape_cast %parallel_loop3A_381 : vector<16xi32> to vector<16x1xi32>
      %parallel_loop3A_383 = vector.shape_cast %parallel_loop3A_382 : vector<16x1xi32> to vector<16xi32>
      %parallel_loop3A_384 = tpu.dynamic_gather %parallel_loop3A_199[%parallel_loop3A_383] in [0] : vector<16xf32>, vector<16xi32> -> vector<16xf32>
      %parallel_loop3A_385 = arith.constant 9 : i32
      %parallel_loop3A_386 = vector.broadcast %parallel_loop3A_385 : i32 to vector<16xi32>
      %parallel_loop3A_387 = vector.shape_cast %parallel_loop3A_386 : vector<16xi32> to vector<16x1xi32>
      %parallel_loop3A_388 = vector.shape_cast %parallel_loop3A_387 : vector<16x1xi32> to vector<16xi32>
      %parallel_loop3A_389 = tpu.dynamic_gather %parallel_loop3A_199[%parallel_loop3A_388] in [0] : vector<16xf32>, vector<16xi32> -> vector<16xf32>
      %parallel_loop3A_390 = arith.mulf %convert_element_type3A, %parallel_loop3A_384 : vector<16xf32>
      %parallel_loop3A_391 = arith.mulf %convert_element_type3A_18, %parallel_loop3A_389 : vector<16xf32>
      %parallel_loop3A_392 = arith.addf %parallel_loop3A_390, %parallel_loop3A_391 : vector<16xf32>
      %parallel_loop3A_393 = arith.mulf %sub3A_20, %parallel_loop3A_384 : vector<16xf32>
      %parallel_loop3A_394 = arith.mulf %sub3A_23, %parallel_loop3A_389 : vector<16xf32>
      %parallel_loop3A_395 = arith.addf %parallel_loop3A_393, %parallel_loop3A_394 : vector<16xf32>
      %parallel_loop3A_396 = vector.shape_cast %mul3A_29 : vector<16xi32> to vector<16x1xi32>
      %parallel_loop3A_397 = vector.shape_cast %parallel_loop3A_396 : vector<16x1xi32> to vector<16xi32>
      %parallel_loop3A_398 = tpu.dynamic_gather %parallel_loop3A_368[%parallel_loop3A_397] in [0] : vector<16xf32>, vector<16xi32> -> vector<16xf32>
      %parallel_loop3A_399 = arith.addf %parallel_loop3A_398, %parallel_loop3A_392 : vector<16xf32>
      %parallel_loop3A_400 = arith.constant 1 : i32
      %parallel_loop3A_401 = vector.broadcast %parallel_loop3A_400 : i32 to vector<16xi32>
      %parallel_loop3A_402 = arith.addi %mul3A_29, %parallel_loop3A_401 : vector<16xi32>
      %parallel_loop3A_403 = vector.shape_cast %parallel_loop3A_402 : vector<16xi32> to vector<16x1xi32>
      %parallel_loop3A_404 = vector.shape_cast %parallel_loop3A_403 : vector<16x1xi32> to vector<16xi32>
      %parallel_loop3A_405 = tpu.dynamic_gather %parallel_loop3A_368[%parallel_loop3A_404] in [0] : vector<16xf32>, vector<16xi32> -> vector<16xf32>
      %parallel_loop3A_406 = arith.addf %parallel_loop3A_405, %parallel_loop3A_395 : vector<16xf32>
      %parallel_loop3A_407 = arith.cmpf olt, %parallel_loop3A_406, %parallel_loop3A_399 : vector<16xf32>
      %parallel_loop3A_408 = arith.constant 1 : i32
      %parallel_loop3A_409 = arith.constant 0 : i32
      %parallel_loop3A_410 = vector.broadcast %parallel_loop3A_408 : i32 to vector<16xi32>
      %parallel_loop3A_411 = vector.broadcast %parallel_loop3A_409 : i32 to vector<16xi32>
      %parallel_loop3A_412 = arith.select %parallel_loop3A_407, %parallel_loop3A_410, %parallel_loop3A_411 : vector<16xi1>, vector<16xi32>
      %parallel_loop3A_413 = arith.minimumf %parallel_loop3A_399, %parallel_loop3A_406 : vector<16xf32>
      %parallel_loop3A_414 = arith.addi %mul3A_29, %parallel_loop3A_412 : vector<16xi32>
      %parallel_loop3A_415 = arith.constant 8 : i32
      %parallel_loop3A_416 = arith.muli %parallel_loop3A_173, %parallel_loop3A_415 : i32
      %parallel_loop3A_417 = arith.constant 0 : i32
      %parallel_loop3A_418 = arith.addi %parallel_loop3A_417, %parallel_loop3A_416 : i32
      %parallel_loop3A_419 = arith.constant 4 : i32
      %parallel_loop3A_420 = arith.addi %parallel_loop3A_418, %parallel_loop3A_419 : i32
      %parallel_loop3A_421 = arith.constant 16 : i32
      %parallel_loop3A_422 = arith.muli %parallel_loop3A_420, %parallel_loop3A_421 : i32
      %parallel_loop3A_423 = arith.index_cast %parallel_loop3A_422 : i32 to index
      %parallel_loop3A_424 = tpu.vector_load %arg5[%parallel_loop3A_423] {strides = array<i32>} : memref<32768xi32, #tpu.memory_space<vmem>>, vector<16xi32>,
      tpu.vector_store %arg5[%parallel_loop3A_423], %parallel_loop3A_414 {strides = array<i32>} : memref<32768xi32, #tpu.memory_space<vmem>>, vector<16xi32>,
      %parallel_loop3A_425 = arith.constant 10 : i32
      %parallel_loop3A_426 = vector.broadcast %parallel_loop3A_425 : i32 to vector<16xi32>
      %parallel_loop3A_427 = vector.shape_cast %parallel_loop3A_426 : vector<16xi32> to vector<16x1xi32>
      %parallel_loop3A_428 = vector.shape_cast %parallel_loop3A_427 : vector<16x1xi32> to vector<16xi32>
      %parallel_loop3A_429 = tpu.dynamic_gather %parallel_loop3A_199[%parallel_loop3A_428] in [0] : vector<16xf32>, vector<16xi32> -> vector<16xf32>
      %parallel_loop3A_430 = arith.constant 11 : i32
      %parallel_loop3A_431 = vector.broadcast %parallel_loop3A_430 : i32 to vector<16xi32>
      %parallel_loop3A_432 = vector.shape_cast %parallel_loop3A_431 : vector<16xi32> to vector<16x1xi32>
      %parallel_loop3A_433 = vector.shape_cast %parallel_loop3A_432 : vector<16x1xi32> to vector<16xi32>
      %parallel_loop3A_434 = tpu.dynamic_gather %parallel_loop3A_199[%parallel_loop3A_433] in [0] : vector<16xf32>, vector<16xi32> -> vector<16xf32>
      %parallel_loop3A_435 = arith.mulf %convert_element_type3A, %parallel_loop3A_429 : vector<16xf32>
      %parallel_loop3A_436 = arith.mulf %convert_element_type3A_18, %parallel_loop3A_434 : vector<16xf32>
      %parallel_loop3A_437 = arith.addf %parallel_loop3A_435, %parallel_loop3A_436 : vector<16xf32>
      %parallel_loop3A_438 = arith.mulf %sub3A_20, %parallel_loop3A_429 : vector<16xf32>
      %parallel_loop3A_439 = arith.mulf %sub3A_23, %parallel_loop3A_434 : vector<16xf32>
      %parallel_loop3A_440 = arith.addf %parallel_loop3A_438, %parallel_loop3A_439 : vector<16xf32>
      %parallel_loop3A_441 = vector.shape_cast %mul3A_29 : vector<16xi32> to vector<16x1xi32>
      %parallel_loop3A_442 = vector.shape_cast %parallel_loop3A_441 : vector<16x1xi32> to vector<16xi32>
      %parallel_loop3A_443 = tpu.dynamic_gather %parallel_loop3A_413[%parallel_loop3A_442] in [0] : vector<16xf32>, vector<16xi32> -> vector<16xf32>
      %parallel_loop3A_444 = arith.addf %parallel_loop3A_443, %parallel_loop3A_437 : vector<16xf32>
      %parallel_loop3A_445 = arith.constant 1 : i32
      %parallel_loop3A_446 = vector.broadcast %parallel_loop3A_445 : i32 to vector<16xi32>
      %parallel_loop3A_447 = arith.addi %mul3A_29, %parallel_loop3A_446 : vector<16xi32>
      %parallel_loop3A_448 = vector.shape_cast %parallel_loop3A_447 : vector<16xi32> to vector<16x1xi32>
      %parallel_loop3A_449 = vector.shape_cast %parallel_loop3A_448 : vector<16x1xi32> to vector<16xi32>
      %parallel_loop3A_450 = tpu.dynamic_gather %parallel_loop3A_413[%parallel_loop3A_449] in [0] : vector<16xf32>, vector<16xi32> -> vector<16xf32>
      %parallel_loop3A_451 = arith.addf %parallel_loop3A_450, %parallel_loop3A_440 : vector<16xf32>
      %parallel_loop3A_452 = arith.cmpf olt, %parallel_loop3A_451, %parallel_loop3A_444 : vector<16xf32>
      %parallel_loop3A_453 = arith.constant 1 : i32
      %parallel_loop3A_454 = arith.constant 0 : i32
      %parallel_loop3A_455 = vector.broadcast %parallel_loop3A_453 : i32 to vector<16xi32>
      %parallel_loop3A_456 = vector.broadcast %parallel_loop3A_454 : i32 to vector<16xi32>
      %parallel_loop3A_457 = arith.select %parallel_loop3A_452, %parallel_loop3A_455, %parallel_loop3A_456 : vector<16xi1>, vector<16xi32>
      %parallel_loop3A_458 = arith.minimumf %parallel_loop3A_444, %parallel_loop3A_451 : vector<16xf32>
      %parallel_loop3A_459 = arith.addi %mul3A_29, %parallel_loop3A_457 : vector<16xi32>
      %parallel_loop3A_460 = arith.constant 8 : i32
      %parallel_loop3A_461 = arith.muli %parallel_loop3A_173, %parallel_loop3A_460 : i32
      %parallel_loop3A_462 = arith.constant 0 : i32
      %parallel_loop3A_463 = arith.addi %parallel_loop3A_462, %parallel_loop3A_461 : i32
      %parallel_loop3A_464 = arith.constant 5 : i32
      %parallel_loop3A_465 = arith.addi %parallel_loop3A_463, %parallel_loop3A_464 : i32
      %parallel_loop3A_466 = arith.constant 16 : i32
      %parallel_loop3A_467 = arith.muli %parallel_loop3A_465, %parallel_loop3A_466 : i32
      %parallel_loop3A_468 = arith.index_cast %parallel_loop3A_467 : i32 to index
      %parallel_loop3A_469 = tpu.vector_load %arg5[%parallel_loop3A_468] {strides = array<i32>} : memref<32768xi32, #tpu.memory_space<vmem>>, vector<16xi32>,
      tpu.vector_store %arg5[%parallel_loop3A_468], %parallel_loop3A_459 {strides = array<i32>} : memref<32768xi32, #tpu.memory_space<vmem>>, vector<16xi32>,
      %parallel_loop3A_470 = arith.constant 12 : i32
      %parallel_loop3A_471 = vector.broadcast %parallel_loop3A_470 : i32 to vector<16xi32>
      %parallel_loop3A_472 = vector.shape_cast %parallel_loop3A_471 : vector<16xi32> to vector<16x1xi32>
      %parallel_loop3A_473 = vector.shape_cast %parallel_loop3A_472 : vector<16x1xi32> to vector<16xi32>
      %parallel_loop3A_474 = tpu.dynamic_gather %parallel_loop3A_199[%parallel_loop3A_473] in [0] : vector<16xf32>, vector<16xi32> -> vector<16xf32>
      %parallel_loop3A_475 = arith.constant 13 : i32
      %parallel_loop3A_476 = vector.broadcast %parallel_loop3A_475 : i32 to vector<16xi32>
      %parallel_loop3A_477 = vector.shape_cast %parallel_loop3A_476 : vector<16xi32> to vector<16x1xi32>
      %parallel_loop3A_478 = vector.shape_cast %parallel_loop3A_477 : vector<16x1xi32> to vector<16xi32>
      %parallel_loop3A_479 = tpu.dynamic_gather %parallel_loop3A_199[%parallel_loop3A_478] in [0] : vector<16xf32>, vector<16xi32> -> vector<16xf32>
      %parallel_loop3A_480 = arith.mulf %convert_element_type3A, %parallel_loop3A_474 : vector<16xf32>
      %parallel_loop3A_481 = arith.mulf %convert_element_type3A_18, %parallel_loop3A_479 : vector<16xf32>
      %parallel_loop3A_482 = arith.addf %parallel_loop3A_480, %parallel_loop3A_481 : vector<16xf32>
      %parallel_loop3A_483 = arith.mulf %sub3A_20, %parallel_loop3A_474 : vector<16xf32>
      %parallel_loop3A_484 = arith.mulf %sub3A_23, %parallel_loop3A_479 : vector<16xf32>
      %parallel_loop3A_485 = arith.addf %parallel_loop3A_483, %parallel_loop3A_484 : vector<16xf32>
      %parallel_loop3A_486 = vector.shape_cast %mul3A_29 : vector<16xi32> to vector<16x1xi32>
      %parallel_loop3A_487 = vector.shape_cast %parallel_loop3A_486 : vector<16x1xi32> to vector<16xi32>
      %parallel_loop3A_488 = tpu.dynamic_gather %parallel_loop3A_458[%parallel_loop3A_487] in [0] : vector<16xf32>, vector<16xi32> -> vector<16xf32>
      %parallel_loop3A_489 = arith.addf %parallel_loop3A_488, %parallel_loop3A_482 : vector<16xf32>
      %parallel_loop3A_490 = arith.constant 1 : i32
      %parallel_loop3A_491 = vector.broadcast %parallel_loop3A_490 : i32 to vector<16xi32>
      %parallel_loop3A_492 = arith.addi %mul3A_29, %parallel_loop3A_491 : vector<16xi32>
      %parallel_loop3A_493 = vector.shape_cast %parallel_loop3A_492 : vector<16xi32> to vector<16x1xi32>
      %parallel_loop3A_494 = vector.shape_cast %parallel_loop3A_493 : vector<16x1xi32> to vector<16xi32>
      %parallel_loop3A_495 = tpu.dynamic_gather %parallel_loop3A_458[%parallel_loop3A_494] in [0] : vector<16xf32>, vector<16xi32> -> vector<16xf32>
      %parallel_loop3A_496 = arith.addf %parallel_loop3A_495, %parallel_loop3A_485 : vector<16xf32>
      %parallel_loop3A_497 = arith.cmpf olt, %parallel_loop3A_496, %parallel_loop3A_489 : vector<16xf32>
      %parallel_loop3A_498 = arith.constant 1 : i32
      %parallel_loop3A_499 = arith.constant 0 : i32
      %parallel_loop3A_500 = vector.broadcast %parallel_loop3A_498 : i32 to vector<16xi32>
      %parallel_loop3A_501 = vector.broadcast %parallel_loop3A_499 : i32 to vector<16xi32>
      %parallel_loop3A_502 = arith.select %parallel_loop3A_497, %parallel_loop3A_500, %parallel_loop3A_501 : vector<16xi1>, vector<16xi32>
      %parallel_loop3A_503 = arith.minimumf %parallel_loop3A_489, %parallel_loop3A_496 : vector<16xf32>
      %parallel_loop3A_504 = arith.addi %mul3A_29, %parallel_loop3A_502 : vector<16xi32>
      %parallel_loop3A_505 = arith.constant 8 : i32
      %parallel_loop3A_506 = arith.muli %parallel_loop3A_173, %parallel_loop3A_505 : i32
      %parallel_loop3A_507 = arith.constant 0 : i32
      %parallel_loop3A_508 = arith.addi %parallel_loop3A_507, %parallel_loop3A_506 : i32
      %parallel_loop3A_509 = arith.constant 6 : i32
      %parallel_loop3A_510 = arith.addi %parallel_loop3A_508, %parallel_loop3A_509 : i32
      %parallel_loop3A_511 = arith.constant 16 : i32
      %parallel_loop3A_512 = arith.muli %parallel_loop3A_510, %parallel_loop3A_511 : i32
      %parallel_loop3A_513 = arith.index_cast %parallel_loop3A_512 : i32 to index
      %parallel_loop3A_514 = tpu.vector_load %arg5[%parallel_loop3A_513] {strides = array<i32>} : memref<32768xi32, #tpu.memory_space<vmem>>, vector<16xi32>,
      tpu.vector_store %arg5[%parallel_loop3A_513], %parallel_loop3A_504 {strides = array<i32>} : memref<32768xi32, #tpu.memory_space<vmem>>, vector<16xi32>,
      %parallel_loop3A_515 = arith.constant 14 : i32
      %parallel_loop3A_516 = vector.broadcast %parallel_loop3A_515 : i32 to vector<16xi32>
      %parallel_loop3A_517 = vector.shape_cast %parallel_loop3A_516 : vector<16xi32> to vector<16x1xi32>
      %parallel_loop3A_518 = vector.shape_cast %parallel_loop3A_517 : vector<16x1xi32> to vector<16xi32>
      %parallel_loop3A_519 = tpu.dynamic_gather %parallel_loop3A_199[%parallel_loop3A_518] in [0] : vector<16xf32>, vector<16xi32> -> vector<16xf32>
      %parallel_loop3A_520 = arith.constant 15 : i32
      %parallel_loop3A_521 = vector.broadcast %parallel_loop3A_520 : i32 to vector<16xi32>
      %parallel_loop3A_522 = vector.shape_cast %parallel_loop3A_521 : vector<16xi32> to vector<16x1xi32>
      %parallel_loop3A_523 = vector.shape_cast %parallel_loop3A_522 : vector<16x1xi32> to vector<16xi32>
      %parallel_loop3A_524 = tpu.dynamic_gather %parallel_loop3A_199[%parallel_loop3A_523] in [0] : vector<16xf32>, vector<16xi32> -> vector<16xf32>
      %parallel_loop3A_525 = arith.mulf %convert_element_type3A, %parallel_loop3A_519 : vector<16xf32>
      %parallel_loop3A_526 = arith.mulf %convert_element_type3A_18, %parallel_loop3A_524 : vector<16xf32>
      %parallel_loop3A_527 = arith.addf %parallel_loop3A_525, %parallel_loop3A_526 : vector<16xf32>
      %parallel_loop3A_528 = arith.mulf %sub3A_20, %parallel_loop3A_519 : vector<16xf32>
      %parallel_loop3A_529 = arith.mulf %sub3A_23, %parallel_loop3A_524 : vector<16xf32>
      %parallel_loop3A_530 = arith.addf %parallel_loop3A_528, %parallel_loop3A_529 : vector<16xf32>
      %parallel_loop3A_531 = vector.shape_cast %mul3A_29 : vector<16xi32> to vector<16x1xi32>
      %parallel_loop3A_532 = vector.shape_cast %parallel_loop3A_531 : vector<16x1xi32> to vector<16xi32>
      %parallel_loop3A_533 = tpu.dynamic_gather %parallel_loop3A_503[%parallel_loop3A_532] in [0] : vector<16xf32>, vector<16xi32> -> vector<16xf32>
      %parallel_loop3A_534 = arith.addf %parallel_loop3A_533, %parallel_loop3A_527 : vector<16xf32>
      %parallel_loop3A_535 = arith.constant 1 : i32
      %parallel_loop3A_536 = vector.broadcast %parallel_loop3A_535 : i32 to vector<16xi32>
      %parallel_loop3A_537 = arith.addi %mul3A_29, %parallel_loop3A_536 : vector<16xi32>
      %parallel_loop3A_538 = vector.shape_cast %parallel_loop3A_537 : vector<16xi32> to vector<16x1xi32>
      %parallel_loop3A_539 = vector.shape_cast %parallel_loop3A_538 : vector<16x1xi32> to vector<16xi32>
      %parallel_loop3A_540 = tpu.dynamic_gather %parallel_loop3A_503[%parallel_loop3A_539] in [0] : vector<16xf32>, vector<16xi32> -> vector<16xf32>
      %parallel_loop3A_541 = arith.addf %parallel_loop3A_540, %parallel_loop3A_530 : vector<16xf32>
      %parallel_loop3A_542 = arith.cmpf olt, %parallel_loop3A_541, %parallel_loop3A_534 : vector<16xf32>
      %parallel_loop3A_543 = arith.constant 1 : i32
      %parallel_loop3A_544 = arith.constant 0 : i32
      %parallel_loop3A_545 = vector.broadcast %parallel_loop3A_543 : i32 to vector<16xi32>
      %parallel_loop3A_546 = vector.broadcast %parallel_loop3A_544 : i32 to vector<16xi32>
      %parallel_loop3A_547 = arith.select %parallel_loop3A_542, %parallel_loop3A_545, %parallel_loop3A_546 : vector<16xi1>, vector<16xi32>
      %parallel_loop3A_548 = arith.minimumf %parallel_loop3A_534, %parallel_loop3A_541 : vector<16xf32>
      %parallel_loop3A_549 = arith.addi %mul3A_29, %parallel_loop3A_547 : vector<16xi32>
      %parallel_loop3A_550 = arith.constant 8 : i32
      %parallel_loop3A_551 = arith.muli %parallel_loop3A_173, %parallel_loop3A_550 : i32
      %parallel_loop3A_552 = arith.constant 0 : i32
      %parallel_loop3A_553 = arith.addi %parallel_loop3A_552, %parallel_loop3A_551 : i32
      %parallel_loop3A_554 = arith.constant 7 : i32
      %parallel_loop3A_555 = arith.addi %parallel_loop3A_553, %parallel_loop3A_554 : i32
      %parallel_loop3A_556 = arith.constant 16 : i32
      %parallel_loop3A_557 = arith.muli %parallel_loop3A_555, %parallel_loop3A_556 : i32
      %parallel_loop3A_558 = arith.index_cast %parallel_loop3A_557 : i32 to index
      %parallel_loop3A_559 = tpu.vector_load %arg5[%parallel_loop3A_558] {strides = array<i32>} : memref<32768xi32, #tpu.memory_space<vmem>>, vector<16xi32>,
      tpu.vector_store %arg5[%parallel_loop3A_558], %parallel_loop3A_549 {strides = array<i32>} : memref<32768xi32, #tpu.memory_space<vmem>>, vector<16xi32>,
      %parallel_loop3A_560 = arith.constant 16 : i32
      %parallel_loop3A_561 = arith.muli %parallel_loop3A_173, %parallel_loop3A_560 : i32
      %parallel_loop3A_562 = arith.constant 2048 : i32
      %parallel_loop3A_563 = arith.addi %parallel_loop3A_562, %parallel_loop3A_561 : i32
      %parallel_loop3A_564 = arith.index_cast %parallel_loop3A_563 : i32 to index
      %parallel_loop3A_565 = tpu.vector_load %arg4[%parallel_loop3A_564] {strides = array<i32>} : memref<4096xf32, #tpu.memory_space<vmem>>, vector<16xf32>,
      %parallel_loop3A_566 = tpu.bitcast %parallel_loop3A_565 : vector<16xf32> -> vector<16xi32>
      %parallel_loop3A_567 = arith.constant 32767 : i32
      %parallel_loop3A_568 = vector.broadcast %parallel_loop3A_567 : i32 to vector<16xi32>
      %parallel_loop3A_569 = arith.addi %parallel_loop3A_566, %parallel_loop3A_568 : vector<16xi32>
      %parallel_loop3A_570 = arith.constant 16 : i32
      %parallel_loop3A_571 = vector.broadcast %parallel_loop3A_570 : i32 to vector<16xi32>
      %parallel_loop3A_572 = arith.shrsi %parallel_loop3A_566, %parallel_loop3A_571 : vector<16xi32>
      %parallel_loop3A_573 = arith.constant 1 : i32
      %parallel_loop3A_574 = vector.broadcast %parallel_loop3A_573 : i32 to vector<16xi32>
      %parallel_loop3A_575 = arith.andi %parallel_loop3A_572, %parallel_loop3A_574 : vector<16xi32>
      %parallel_loop3A_576 = arith.addi %parallel_loop3A_569, %parallel_loop3A_575 : vector<16xi32>
      %parallel_loop3A_577 = arith.constant 16 : i32
      %parallel_loop3A_578 = vector.broadcast %parallel_loop3A_577 : i32 to vector<16xi32>
      %parallel_loop3A_579 = arith.shrsi %parallel_loop3A_576, %parallel_loop3A_578 : vector<16xi32>
      %parallel_loop3A_580 = arith.constant 16 : i32
      %parallel_loop3A_581 = vector.broadcast %parallel_loop3A_580 : i32 to vector<16xi32>
      %parallel_loop3A_582 = arith.shli %parallel_loop3A_579, %parallel_loop3A_581 : vector<16xi32>
      %parallel_loop3A_583 = tpu.bitcast %parallel_loop3A_582 : vector<16xi32> -> vector<16xf32>
      %parallel_loop3A_584 = arith.constant 0 : i32
      %parallel_loop3A_585 = vector.broadcast %parallel_loop3A_584 : i32 to vector<16xi32>
      %parallel_loop3A_586 = vector.shape_cast %parallel_loop3A_585 : vector<16xi32> to vector<16x1xi32>
      %parallel_loop3A_587 = vector.shape_cast %parallel_loop3A_586 : vector<16x1xi32> to vector<16xi32>
      %parallel_loop3A_588 = tpu.dynamic_gather %parallel_loop3A_583[%parallel_loop3A_587] in [0] : vector<16xf32>, vector<16xi32> -> vector<16xf32>
      %parallel_loop3A_589 = arith.constant 1 : i32
      %parallel_loop3A_590 = vector.broadcast %parallel_loop3A_589 : i32 to vector<16xi32>
      %parallel_loop3A_591 = vector.shape_cast %parallel_loop3A_590 : vector<16xi32> to vector<16x1xi32>
      %parallel_loop3A_592 = vector.shape_cast %parallel_loop3A_591 : vector<16x1xi32> to vector<16xi32>
      %parallel_loop3A_593 = tpu.dynamic_gather %parallel_loop3A_583[%parallel_loop3A_592] in [0] : vector<16xf32>, vector<16xi32> -> vector<16xf32>
      %parallel_loop3A_594 = arith.mulf %convert_element_type3A, %parallel_loop3A_588 : vector<16xf32>
      %parallel_loop3A_595 = arith.mulf %convert_element_type3A_18, %parallel_loop3A_593 : vector<16xf32>
      %parallel_loop3A_596 = arith.addf %parallel_loop3A_594, %parallel_loop3A_595 : vector<16xf32>
      %parallel_loop3A_597 = arith.mulf %sub3A_20, %parallel_loop3A_588 : vector<16xf32>
      %parallel_loop3A_598 = arith.mulf %sub3A_23, %parallel_loop3A_593 : vector<16xf32>
      %parallel_loop3A_599 = arith.addf %parallel_loop3A_597, %parallel_loop3A_598 : vector<16xf32>
      %parallel_loop3A_600 = vector.shape_cast %mul3A_29 : vector<16xi32> to vector<16x1xi32>
      %parallel_loop3A_601 = vector.shape_cast %parallel_loop3A_600 : vector<16x1xi32> to vector<16xi32>
      %parallel_loop3A_602 = tpu.dynamic_gather %parallel_loop3A_175[%parallel_loop3A_601] in [0] : vector<16xf32>, vector<16xi32> -> vector<16xf32>
      %parallel_loop3A_603 = arith.addf %parallel_loop3A_602, %parallel_loop3A_596 : vector<16xf32>
      %parallel_loop3A_604 = arith.constant 1 : i32
      %parallel_loop3A_605 = vector.broadcast %parallel_loop3A_604 : i32 to vector<16xi32>
      %parallel_loop3A_606 = arith.addi %mul3A_29, %parallel_loop3A_605 : vector<16xi32>
      %parallel_loop3A_607 = vector.shape_cast %parallel_loop3A_606 : vector<16xi32> to vector<16x1xi32>
      %parallel_loop3A_608 = vector.shape_cast %parallel_loop3A_607 : vector<16x1xi32> to vector<16xi32>
      %parallel_loop3A_609 = tpu.dynamic_gather %parallel_loop3A_175[%parallel_loop3A_608] in [0] : vector<16xf32>, vector<16xi32> -> vector<16xf32>
      %parallel_loop3A_610 = arith.addf %parallel_loop3A_609, %parallel_loop3A_599 : vector<16xf32>
      %parallel_loop3A_611 = arith.cmpf olt, %parallel_loop3A_610, %parallel_loop3A_603 : vector<16xf32>
      %parallel_loop3A_612 = arith.constant 1 : i32
      %parallel_loop3A_613 = arith.constant 0 : i32
      %parallel_loop3A_614 = vector.broadcast %parallel_loop3A_612 : i32 to vector<16xi32>
      %parallel_loop3A_615 = vector.broadcast %parallel_loop3A_613 : i32 to vector<16xi32>
      %parallel_loop3A_616 = arith.select %parallel_loop3A_611, %parallel_loop3A_614, %parallel_loop3A_615 : vector<16xi1>, vector<16xi32>
      %parallel_loop3A_617 = arith.minimumf %parallel_loop3A_603, %parallel_loop3A_610 : vector<16xf32>
      %parallel_loop3A_618 = arith.addi %mul3A_29, %parallel_loop3A_616 : vector<16xi32>
      %parallel_loop3A_619 = arith.constant 8 : i32
      %parallel_loop3A_620 = arith.muli %parallel_loop3A_173, %parallel_loop3A_619 : i32
      %parallel_loop3A_621 = arith.constant 1024 : i32
      %parallel_loop3A_622 = arith.addi %parallel_loop3A_621, %parallel_loop3A_620 : i32
      %parallel_loop3A_623 = arith.constant 0 : i32
      %parallel_loop3A_624 = arith.addi %parallel_loop3A_622, %parallel_loop3A_623 : i32
      %parallel_loop3A_625 = arith.constant 16 : i32
      %parallel_loop3A_626 = arith.muli %parallel_loop3A_624, %parallel_loop3A_625 : i32
      %parallel_loop3A_627 = arith.index_cast %parallel_loop3A_626 : i32 to index
      %parallel_loop3A_628 = tpu.vector_load %arg5[%parallel_loop3A_627] {strides = array<i32>} : memref<32768xi32, #tpu.memory_space<vmem>>, vector<16xi32>,
      tpu.vector_store %arg5[%parallel_loop3A_627], %parallel_loop3A_618 {strides = array<i32>} : memref<32768xi32, #tpu.memory_space<vmem>>, vector<16xi32>,
      %parallel_loop3A_629 = arith.constant 2 : i32
      %parallel_loop3A_630 = vector.broadcast %parallel_loop3A_629 : i32 to vector<16xi32>
      %parallel_loop3A_631 = vector.shape_cast %parallel_loop3A_630 : vector<16xi32> to vector<16x1xi32>
      %parallel_loop3A_632 = vector.shape_cast %parallel_loop3A_631 : vector<16x1xi32> to vector<16xi32>
      %parallel_loop3A_633 = tpu.dynamic_gather %parallel_loop3A_583[%parallel_loop3A_632] in [0] : vector<16xf32>, vector<16xi32> -> vector<16xf32>
      %parallel_loop3A_634 = arith.constant 3 : i32
      %parallel_loop3A_635 = vector.broadcast %parallel_loop3A_634 : i32 to vector<16xi32>
      %parallel_loop3A_636 = vector.shape_cast %parallel_loop3A_635 : vector<16xi32> to vector<16x1xi32>
      %parallel_loop3A_637 = vector.shape_cast %parallel_loop3A_636 : vector<16x1xi32> to vector<16xi32>
      %parallel_loop3A_638 = tpu.dynamic_gather %parallel_loop3A_583[%parallel_loop3A_637] in [0] : vector<16xf32>, vector<16xi32> -> vector<16xf32>
      %parallel_loop3A_639 = arith.mulf %convert_element_type3A, %parallel_loop3A_633 : vector<16xf32>
      %parallel_loop3A_640 = arith.mulf %convert_element_type3A_18, %parallel_loop3A_638 : vector<16xf32>
      %parallel_loop3A_641 = arith.addf %parallel_loop3A_639, %parallel_loop3A_640 : vector<16xf32>
      %parallel_loop3A_642 = arith.mulf %sub3A_20, %parallel_loop3A_633 : vector<16xf32>
      %parallel_loop3A_643 = arith.mulf %sub3A_23, %parallel_loop3A_638 : vector<16xf32>
      %parallel_loop3A_644 = arith.addf %parallel_loop3A_642, %parallel_loop3A_643 : vector<16xf32>
      %parallel_loop3A_645 = vector.shape_cast %mul3A_29 : vector<16xi32> to vector<16x1xi32>
      %parallel_loop3A_646 = vector.shape_cast %parallel_loop3A_645 : vector<16x1xi32> to vector<16xi32>
      %parallel_loop3A_647 = tpu.dynamic_gather %parallel_loop3A_617[%parallel_loop3A_646] in [0] : vector<16xf32>, vector<16xi32> -> vector<16xf32>
      %parallel_loop3A_648 = arith.addf %parallel_loop3A_647, %parallel_loop3A_641 : vector<16xf32>
      %parallel_loop3A_649 = arith.constant 1 : i32
      %parallel_loop3A_650 = vector.broadcast %parallel_loop3A_649 : i32 to vector<16xi32>
      %parallel_loop3A_651 = arith.addi %mul3A_29, %parallel_loop3A_650 : vector<16xi32>
      %parallel_loop3A_652 = vector.shape_cast %parallel_loop3A_651 : vector<16xi32> to vector<16x1xi32>
      %parallel_loop3A_653 = vector.shape_cast %parallel_loop3A_652 : vector<16x1xi32> to vector<16xi32>
      %parallel_loop3A_654 = tpu.dynamic_gather %parallel_loop3A_617[%parallel_loop3A_653] in [0] : vector<16xf32>, vector<16xi32> -> vector<16xf32>
      %parallel_loop3A_655 = arith.addf %parallel_loop3A_654, %parallel_loop3A_644 : vector<16xf32>
      %parallel_loop3A_656 = arith.cmpf olt, %parallel_loop3A_655, %parallel_loop3A_648 : vector<16xf32>
      %parallel_loop3A_657 = arith.constant 1 : i32
      %parallel_loop3A_658 = arith.constant 0 : i32
      %parallel_loop3A_659 = vector.broadcast %parallel_loop3A_657 : i32 to vector<16xi32>
      %parallel_loop3A_660 = vector.broadcast %parallel_loop3A_658 : i32 to vector<16xi32>
      %parallel_loop3A_661 = arith.select %parallel_loop3A_656, %parallel_loop3A_659, %parallel_loop3A_660 : vector<16xi1>, vector<16xi32>
      %parallel_loop3A_662 = arith.minimumf %parallel_loop3A_648, %parallel_loop3A_655 : vector<16xf32>
      %parallel_loop3A_663 = arith.addi %mul3A_29, %parallel_loop3A_661 : vector<16xi32>
      %parallel_loop3A_664 = arith.constant 8 : i32
      %parallel_loop3A_665 = arith.muli %parallel_loop3A_173, %parallel_loop3A_664 : i32
      %parallel_loop3A_666 = arith.constant 1024 : i32
      %parallel_loop3A_667 = arith.addi %parallel_loop3A_666, %parallel_loop3A_665 : i32
      %parallel_loop3A_668 = arith.constant 1 : i32
      %parallel_loop3A_669 = arith.addi %parallel_loop3A_667, %parallel_loop3A_668 : i32
      %parallel_loop3A_670 = arith.constant 16 : i32
      %parallel_loop3A_671 = arith.muli %parallel_loop3A_669, %parallel_loop3A_670 : i32
      %parallel_loop3A_672 = arith.index_cast %parallel_loop3A_671 : i32 to index
      %parallel_loop3A_673 = tpu.vector_load %arg5[%parallel_loop3A_672] {strides = array<i32>} : memref<32768xi32, #tpu.memory_space<vmem>>, vector<16xi32>,
      tpu.vector_store %arg5[%parallel_loop3A_672], %parallel_loop3A_663 {strides = array<i32>} : memref<32768xi32, #tpu.memory_space<vmem>>, vector<16xi32>,
      %parallel_loop3A_674 = arith.constant 4 : i32
      %parallel_loop3A_675 = vector.broadcast %parallel_loop3A_674 : i32 to vector<16xi32>
      %parallel_loop3A_676 = vector.shape_cast %parallel_loop3A_675 : vector<16xi32> to vector<16x1xi32>
      %parallel_loop3A_677 = vector.shape_cast %parallel_loop3A_676 : vector<16x1xi32> to vector<16xi32>
      %parallel_loop3A_678 = tpu.dynamic_gather %parallel_loop3A_583[%parallel_loop3A_677] in [0] : vector<16xf32>, vector<16xi32> -> vector<16xf32>
      %parallel_loop3A_679 = arith.constant 5 : i32
      %parallel_loop3A_680 = vector.broadcast %parallel_loop3A_679 : i32 to vector<16xi32>
      %parallel_loop3A_681 = vector.shape_cast %parallel_loop3A_680 : vector<16xi32> to vector<16x1xi32>
      %parallel_loop3A_682 = vector.shape_cast %parallel_loop3A_681 : vector<16x1xi32> to vector<16xi32>
      %parallel_loop3A_683 = tpu.dynamic_gather %parallel_loop3A_583[%parallel_loop3A_682] in [0] : vector<16xf32>, vector<16xi32> -> vector<16xf32>
      %parallel_loop3A_684 = arith.mulf %convert_element_type3A, %parallel_loop3A_678 : vector<16xf32>
      %parallel_loop3A_685 = arith.mulf %convert_element_type3A_18, %parallel_loop3A_683 : vector<16xf32>
      %parallel_loop3A_686 = arith.addf %parallel_loop3A_684, %parallel_loop3A_685 : vector<16xf32>
      %parallel_loop3A_687 = arith.mulf %sub3A_20, %parallel_loop3A_678 : vector<16xf32>
      %parallel_loop3A_688 = arith.mulf %sub3A_23, %parallel_loop3A_683 : vector<16xf32>
      %parallel_loop3A_689 = arith.addf %parallel_loop3A_687, %parallel_loop3A_688 : vector<16xf32>
      %parallel_loop3A_690 = vector.shape_cast %mul3A_29 : vector<16xi32> to vector<16x1xi32>
      %parallel_loop3A_691 = vector.shape_cast %parallel_loop3A_690 : vector<16x1xi32> to vector<16xi32>
      %parallel_loop3A_692 = tpu.dynamic_gather %parallel_loop3A_662[%parallel_loop3A_691] in [0] : vector<16xf32>, vector<16xi32> -> vector<16xf32>
      %parallel_loop3A_693 = arith.addf %parallel_loop3A_692, %parallel_loop3A_686 : vector<16xf32>
      %parallel_loop3A_694 = arith.constant 1 : i32
      %parallel_loop3A_695 = vector.broadcast %parallel_loop3A_694 : i32 to vector<16xi32>
      %parallel_loop3A_696 = arith.addi %mul3A_29, %parallel_loop3A_695 : vector<16xi32>
      %parallel_loop3A_697 = vector.shape_cast %parallel_loop3A_696 : vector<16xi32> to vector<16x1xi32>
      %parallel_loop3A_698 = vector.shape_cast %parallel_loop3A_697 : vector<16x1xi32> to vector<16xi32>
      %parallel_loop3A_699 = tpu.dynamic_gather %parallel_loop3A_662[%parallel_loop3A_698] in [0] : vector<16xf32>, vector<16xi32> -> vector<16xf32>
      %parallel_loop3A_700 = arith.addf %parallel_loop3A_699, %parallel_loop3A_689 : vector<16xf32>
      %parallel_loop3A_701 = arith.cmpf olt, %parallel_loop3A_700, %parallel_loop3A_693 : vector<16xf32>
      %parallel_loop3A_702 = arith.constant 1 : i32
      %parallel_loop3A_703 = arith.constant 0 : i32
      %parallel_loop3A_704 = vector.broadcast %parallel_loop3A_702 : i32 to vector<16xi32>
      %parallel_loop3A_705 = vector.broadcast %parallel_loop3A_703 : i32 to vector<16xi32>
      %parallel_loop3A_706 = arith.select %parallel_loop3A_701, %parallel_loop3A_704, %parallel_loop3A_705 : vector<16xi1>, vector<16xi32>
      %parallel_loop3A_707 = arith.minimumf %parallel_loop3A_693, %parallel_loop3A_700 : vector<16xf32>
      %parallel_loop3A_708 = arith.addi %mul3A_29, %parallel_loop3A_706 : vector<16xi32>
      %parallel_loop3A_709 = arith.constant 8 : i32
      %parallel_loop3A_710 = arith.muli %parallel_loop3A_173, %parallel_loop3A_709 : i32
      %parallel_loop3A_711 = arith.constant 1024 : i32
      %parallel_loop3A_712 = arith.addi %parallel_loop3A_711, %parallel_loop3A_710 : i32
      %parallel_loop3A_713 = arith.constant 2 : i32
      %parallel_loop3A_714 = arith.addi %parallel_loop3A_712, %parallel_loop3A_713 : i32
      %parallel_loop3A_715 = arith.constant 16 : i32
      %parallel_loop3A_716 = arith.muli %parallel_loop3A_714, %parallel_loop3A_715 : i32
      %parallel_loop3A_717 = arith.index_cast %parallel_loop3A_716 : i32 to index
      %parallel_loop3A_718 = tpu.vector_load %arg5[%parallel_loop3A_717] {strides = array<i32>} : memref<32768xi32, #tpu.memory_space<vmem>>, vector<16xi32>,
      tpu.vector_store %arg5[%parallel_loop3A_717], %parallel_loop3A_708 {strides = array<i32>} : memref<32768xi32, #tpu.memory_space<vmem>>, vector<16xi32>,
      %parallel_loop3A_719 = arith.constant 6 : i32
      %parallel_loop3A_720 = vector.broadcast %parallel_loop3A_719 : i32 to vector<16xi32>
      %parallel_loop3A_721 = vector.shape_cast %parallel_loop3A_720 : vector<16xi32> to vector<16x1xi32>
      %parallel_loop3A_722 = vector.shape_cast %parallel_loop3A_721 : vector<16x1xi32> to vector<16xi32>
      %parallel_loop3A_723 = tpu.dynamic_gather %parallel_loop3A_583[%parallel_loop3A_722] in [0] : vector<16xf32>, vector<16xi32> -> vector<16xf32>
      %parallel_loop3A_724 = arith.constant 7 : i32
      %parallel_loop3A_725 = vector.broadcast %parallel_loop3A_724 : i32 to vector<16xi32>
      %parallel_loop3A_726 = vector.shape_cast %parallel_loop3A_725 : vector<16xi32> to vector<16x1xi32>
      %parallel_loop3A_727 = vector.shape_cast %parallel_loop3A_726 : vector<16x1xi32> to vector<16xi32>
      %parallel_loop3A_728 = tpu.dynamic_gather %parallel_loop3A_583[%parallel_loop3A_727] in [0] : vector<16xf32>, vector<16xi32> -> vector<16xf32>
      %parallel_loop3A_729 = arith.mulf %convert_element_type3A, %parallel_loop3A_723 : vector<16xf32>
      %parallel_loop3A_730 = arith.mulf %convert_element_type3A_18, %parallel_loop3A_728 : vector<16xf32>
      %parallel_loop3A_731 = arith.addf %parallel_loop3A_729, %parallel_loop3A_730 : vector<16xf32>
      %parallel_loop3A_732 = arith.mulf %sub3A_20, %parallel_loop3A_723 : vector<16xf32>
      %parallel_loop3A_733 = arith.mulf %sub3A_23, %parallel_loop3A_728 : vector<16xf32>
      %parallel_loop3A_734 = arith.addf %parallel_loop3A_732, %parallel_loop3A_733 : vector<16xf32>
      %parallel_loop3A_735 = vector.shape_cast %mul3A_29 : vector<16xi32> to vector<16x1xi32>
      %parallel_loop3A_736 = vector.shape_cast %parallel_loop3A_735 : vector<16x1xi32> to vector<16xi32>
      %parallel_loop3A_737 = tpu.dynamic_gather %parallel_loop3A_707[%parallel_loop3A_736] in [0] : vector<16xf32>, vector<16xi32> -> vector<16xf32>
      %parallel_loop3A_738 = arith.addf %parallel_loop3A_737, %parallel_loop3A_731 : vector<16xf32>
      %parallel_loop3A_739 = arith.constant 1 : i32
      %parallel_loop3A_740 = vector.broadcast %parallel_loop3A_739 : i32 to vector<16xi32>
      %parallel_loop3A_741 = arith.addi %mul3A_29, %parallel_loop3A_740 : vector<16xi32>
      %parallel_loop3A_742 = vector.shape_cast %parallel_loop3A_741 : vector<16xi32> to vector<16x1xi32>
      %parallel_loop3A_743 = vector.shape_cast %parallel_loop3A_742 : vector<16x1xi32> to vector<16xi32>
      %parallel_loop3A_744 = tpu.dynamic_gather %parallel_loop3A_707[%parallel_loop3A_743] in [0] : vector<16xf32>, vector<16xi32> -> vector<16xf32>
      %parallel_loop3A_745 = arith.addf %parallel_loop3A_744, %parallel_loop3A_734 : vector<16xf32>
      %parallel_loop3A_746 = arith.cmpf olt, %parallel_loop3A_745, %parallel_loop3A_738 : vector<16xf32>
      %parallel_loop3A_747 = arith.constant 1 : i32
      %parallel_loop3A_748 = arith.constant 0 : i32
      %parallel_loop3A_749 = vector.broadcast %parallel_loop3A_747 : i32 to vector<16xi32>
      %parallel_loop3A_750 = vector.broadcast %parallel_loop3A_748 : i32 to vector<16xi32>
      %parallel_loop3A_751 = arith.select %parallel_loop3A_746, %parallel_loop3A_749, %parallel_loop3A_750 : vector<16xi1>, vector<16xi32>
      %parallel_loop3A_752 = arith.minimumf %parallel_loop3A_738, %parallel_loop3A_745 : vector<16xf32>
      %parallel_loop3A_753 = arith.addi %mul3A_29, %parallel_loop3A_751 : vector<16xi32>
      %parallel_loop3A_754 = arith.constant 8 : i32
      %parallel_loop3A_755 = arith.muli %parallel_loop3A_173, %parallel_loop3A_754 : i32
      %parallel_loop3A_756 = arith.constant 1024 : i32
      %parallel_loop3A_757 = arith.addi %parallel_loop3A_756, %parallel_loop3A_755 : i32
      %parallel_loop3A_758 = arith.constant 3 : i32
      %parallel_loop3A_759 = arith.addi %parallel_loop3A_757, %parallel_loop3A_758 : i32
      %parallel_loop3A_760 = arith.constant 16 : i32
      %parallel_loop3A_761 = arith.muli %parallel_loop3A_759, %parallel_loop3A_760 : i32
      %parallel_loop3A_762 = arith.index_cast %parallel_loop3A_761 : i32 to index
      %parallel_loop3A_763 = tpu.vector_load %arg5[%parallel_loop3A_762] {strides = array<i32>} : memref<32768xi32, #tpu.memory_space<vmem>>, vector<16xi32>,
      tpu.vector_store %arg5[%parallel_loop3A_762], %parallel_loop3A_753 {strides = array<i32>} : memref<32768xi32, #tpu.memory_space<vmem>>, vector<16xi32>,
      %parallel_loop3A_764 = arith.constant 8 : i32
      %parallel_loop3A_765 = vector.broadcast %parallel_loop3A_764 : i32 to vector<16xi32>
      %parallel_loop3A_766 = vector.shape_cast %parallel_loop3A_765 : vector<16xi32> to vector<16x1xi32>
      %parallel_loop3A_767 = vector.shape_cast %parallel_loop3A_766 : vector<16x1xi32> to vector<16xi32>
      %parallel_loop3A_768 = tpu.dynamic_gather %parallel_loop3A_583[%parallel_loop3A_767] in [0] : vector<16xf32>, vector<16xi32> -> vector<16xf32>
      %parallel_loop3A_769 = arith.constant 9 : i32
      %parallel_loop3A_770 = vector.broadcast %parallel_loop3A_769 : i32 to vector<16xi32>
      %parallel_loop3A_771 = vector.shape_cast %parallel_loop3A_770 : vector<16xi32> to vector<16x1xi32>
      %parallel_loop3A_772 = vector.shape_cast %parallel_loop3A_771 : vector<16x1xi32> to vector<16xi32>
      %parallel_loop3A_773 = tpu.dynamic_gather %parallel_loop3A_583[%parallel_loop3A_772] in [0] : vector<16xf32>, vector<16xi32> -> vector<16xf32>
      %parallel_loop3A_774 = arith.mulf %convert_element_type3A, %parallel_loop3A_768 : vector<16xf32>
      %parallel_loop3A_775 = arith.mulf %convert_element_type3A_18, %parallel_loop3A_773 : vector<16xf32>
      %parallel_loop3A_776 = arith.addf %parallel_loop3A_774, %parallel_loop3A_775 : vector<16xf32>
      %parallel_loop3A_777 = arith.mulf %sub3A_20, %parallel_loop3A_768 : vector<16xf32>
      %parallel_loop3A_778 = arith.mulf %sub3A_23, %parallel_loop3A_773 : vector<16xf32>
      %parallel_loop3A_779 = arith.addf %parallel_loop3A_777, %parallel_loop3A_778 : vector<16xf32>
      %parallel_loop3A_780 = vector.shape_cast %mul3A_29 : vector<16xi32> to vector<16x1xi32>
      %parallel_loop3A_781 = vector.shape_cast %parallel_loop3A_780 : vector<16x1xi32> to vector<16xi32>
      %parallel_loop3A_782 = tpu.dynamic_gather %parallel_loop3A_752[%parallel_loop3A_781] in [0] : vector<16xf32>, vector<16xi32> -> vector<16xf32>
      %parallel_loop3A_783 = arith.addf %parallel_loop3A_782, %parallel_loop3A_776 : vector<16xf32>
      %parallel_loop3A_784 = arith.constant 1 : i32
      %parallel_loop3A_785 = vector.broadcast %parallel_loop3A_784 : i32 to vector<16xi32>
      %parallel_loop3A_786 = arith.addi %mul3A_29, %parallel_loop3A_785 : vector<16xi32>
      %parallel_loop3A_787 = vector.shape_cast %parallel_loop3A_786 : vector<16xi32> to vector<16x1xi32>
      %parallel_loop3A_788 = vector.shape_cast %parallel_loop3A_787 : vector<16x1xi32> to vector<16xi32>
      %parallel_loop3A_789 = tpu.dynamic_gather %parallel_loop3A_752[%parallel_loop3A_788] in [0] : vector<16xf32>, vector<16xi32> -> vector<16xf32>
      %parallel_loop3A_790 = arith.addf %parallel_loop3A_789, %parallel_loop3A_779 : vector<16xf32>
      %parallel_loop3A_791 = arith.cmpf olt, %parallel_loop3A_790, %parallel_loop3A_783 : vector<16xf32>
      %parallel_loop3A_792 = arith.constant 1 : i32
      %parallel_loop3A_793 = arith.constant 0 : i32
      %parallel_loop3A_794 = vector.broadcast %parallel_loop3A_792 : i32 to vector<16xi32>
      %parallel_loop3A_795 = vector.broadcast %parallel_loop3A_793 : i32 to vector<16xi32>
      %parallel_loop3A_796 = arith.select %parallel_loop3A_791, %parallel_loop3A_794, %parallel_loop3A_795 : vector<16xi1>, vector<16xi32>
      %parallel_loop3A_797 = arith.minimumf %parallel_loop3A_783, %parallel_loop3A_790 : vector<16xf32>
      %parallel_loop3A_798 = arith.addi %mul3A_29, %parallel_loop3A_796 : vector<16xi32>
      %parallel_loop3A_799 = arith.constant 8 : i32
      %parallel_loop3A_800 = arith.muli %parallel_loop3A_173, %parallel_loop3A_799 : i32
      %parallel_loop3A_801 = arith.constant 1024 : i32
      %parallel_loop3A_802 = arith.addi %parallel_loop3A_801, %parallel_loop3A_800 : i32
      %parallel_loop3A_803 = arith.constant 4 : i32
      %parallel_loop3A_804 = arith.addi %parallel_loop3A_802, %parallel_loop3A_803 : i32
      %parallel_loop3A_805 = arith.constant 16 : i32
      %parallel_loop3A_806 = arith.muli %parallel_loop3A_804, %parallel_loop3A_805 : i32
      %parallel_loop3A_807 = arith.index_cast %parallel_loop3A_806 : i32 to index
      %parallel_loop3A_808 = tpu.vector_load %arg5[%parallel_loop3A_807] {strides = array<i32>} : memref<32768xi32, #tpu.memory_space<vmem>>, vector<16xi32>,
      tpu.vector_store %arg5[%parallel_loop3A_807], %parallel_loop3A_798 {strides = array<i32>} : memref<32768xi32, #tpu.memory_space<vmem>>, vector<16xi32>,
      %parallel_loop3A_809 = arith.constant 10 : i32
      %parallel_loop3A_810 = vector.broadcast %parallel_loop3A_809 : i32 to vector<16xi32>
      %parallel_loop3A_811 = vector.shape_cast %parallel_loop3A_810 : vector<16xi32> to vector<16x1xi32>
      %parallel_loop3A_812 = vector.shape_cast %parallel_loop3A_811 : vector<16x1xi32> to vector<16xi32>
      %parallel_loop3A_813 = tpu.dynamic_gather %parallel_loop3A_583[%parallel_loop3A_812] in [0] : vector<16xf32>, vector<16xi32> -> vector<16xf32>
      %parallel_loop3A_814 = arith.constant 11 : i32
      %parallel_loop3A_815 = vector.broadcast %parallel_loop3A_814 : i32 to vector<16xi32>
      %parallel_loop3A_816 = vector.shape_cast %parallel_loop3A_815 : vector<16xi32> to vector<16x1xi32>
      %parallel_loop3A_817 = vector.shape_cast %parallel_loop3A_816 : vector<16x1xi32> to vector<16xi32>
      %parallel_loop3A_818 = tpu.dynamic_gather %parallel_loop3A_583[%parallel_loop3A_817] in [0] : vector<16xf32>, vector<16xi32> -> vector<16xf32>
      %parallel_loop3A_819 = arith.mulf %convert_element_type3A, %parallel_loop3A_813 : vector<16xf32>
      %parallel_loop3A_820 = arith.mulf %convert_element_type3A_18, %parallel_loop3A_818 : vector<16xf32>
      %parallel_loop3A_821 = arith.addf %parallel_loop3A_819, %parallel_loop3A_820 : vector<16xf32>
      %parallel_loop3A_822 = arith.mulf %sub3A_20, %parallel_loop3A_813 : vector<16xf32>
      %parallel_loop3A_823 = arith.mulf %sub3A_23, %parallel_loop3A_818 : vector<16xf32>
      %parallel_loop3A_824 = arith.addf %parallel_loop3A_822, %parallel_loop3A_823 : vector<16xf32>
      %parallel_loop3A_825 = vector.shape_cast %mul3A_29 : vector<16xi32> to vector<16x1xi32>
      %parallel_loop3A_826 = vector.shape_cast %parallel_loop3A_825 : vector<16x1xi32> to vector<16xi32>
      %parallel_loop3A_827 = tpu.dynamic_gather %parallel_loop3A_797[%parallel_loop3A_826] in [0] : vector<16xf32>, vector<16xi32> -> vector<16xf32>
      %parallel_loop3A_828 = arith.addf %parallel_loop3A_827, %parallel_loop3A_821 : vector<16xf32>
      %parallel_loop3A_829 = arith.constant 1 : i32
      %parallel_loop3A_830 = vector.broadcast %parallel_loop3A_829 : i32 to vector<16xi32>
      %parallel_loop3A_831 = arith.addi %mul3A_29, %parallel_loop3A_830 : vector<16xi32>
      %parallel_loop3A_832 = vector.shape_cast %parallel_loop3A_831 : vector<16xi32> to vector<16x1xi32>
      %parallel_loop3A_833 = vector.shape_cast %parallel_loop3A_832 : vector<16x1xi32> to vector<16xi32>
      %parallel_loop3A_834 = tpu.dynamic_gather %parallel_loop3A_797[%parallel_loop3A_833] in [0] : vector<16xf32>, vector<16xi32> -> vector<16xf32>
      %parallel_loop3A_835 = arith.addf %parallel_loop3A_834, %parallel_loop3A_824 : vector<16xf32>
      %parallel_loop3A_836 = arith.cmpf olt, %parallel_loop3A_835, %parallel_loop3A_828 : vector<16xf32>
      %parallel_loop3A_837 = arith.constant 1 : i32
      %parallel_loop3A_838 = arith.constant 0 : i32
      %parallel_loop3A_839 = vector.broadcast %parallel_loop3A_837 : i32 to vector<16xi32>
      %parallel_loop3A_840 = vector.broadcast %parallel_loop3A_838 : i32 to vector<16xi32>
      %parallel_loop3A_841 = arith.select %parallel_loop3A_836, %parallel_loop3A_839, %parallel_loop3A_840 : vector<16xi1>, vector<16xi32>
      %parallel_loop3A_842 = arith.minimumf %parallel_loop3A_828, %parallel_loop3A_835 : vector<16xf32>
      %parallel_loop3A_843 = arith.addi %mul3A_29, %parallel_loop3A_841 : vector<16xi32>
      %parallel_loop3A_844 = arith.constant 8 : i32
      %parallel_loop3A_845 = arith.muli %parallel_loop3A_173, %parallel_loop3A_844 : i32
      %parallel_loop3A_846 = arith.constant 1024 : i32
      %parallel_loop3A_847 = arith.addi %parallel_loop3A_846, %parallel_loop3A_845 : i32
      %parallel_loop3A_848 = arith.constant 5 : i32
      %parallel_loop3A_849 = arith.addi %parallel_loop3A_847, %parallel_loop3A_848 : i32
      %parallel_loop3A_850 = arith.constant 16 : i32
      %parallel_loop3A_851 = arith.muli %parallel_loop3A_849, %parallel_loop3A_850 : i32
      %parallel_loop3A_852 = arith.index_cast %parallel_loop3A_851 : i32 to index
      %parallel_loop3A_853 = tpu.vector_load %arg5[%parallel_loop3A_852] {strides = array<i32>} : memref<32768xi32, #tpu.memory_space<vmem>>, vector<16xi32>,
      tpu.vector_store %arg5[%parallel_loop3A_852], %parallel_loop3A_843 {strides = array<i32>} : memref<32768xi32, #tpu.memory_space<vmem>>, vector<16xi32>,
      %parallel_loop3A_854 = arith.constant 12 : i32
      %parallel_loop3A_855 = vector.broadcast %parallel_loop3A_854 : i32 to vector<16xi32>
      %parallel_loop3A_856 = vector.shape_cast %parallel_loop3A_855 : vector<16xi32> to vector<16x1xi32>
      %parallel_loop3A_857 = vector.shape_cast %parallel_loop3A_856 : vector<16x1xi32> to vector<16xi32>
      %parallel_loop3A_858 = tpu.dynamic_gather %parallel_loop3A_583[%parallel_loop3A_857] in [0] : vector<16xf32>, vector<16xi32> -> vector<16xf32>
      %parallel_loop3A_859 = arith.constant 13 : i32
      %parallel_loop3A_860 = vector.broadcast %parallel_loop3A_859 : i32 to vector<16xi32>
      %parallel_loop3A_861 = vector.shape_cast %parallel_loop3A_860 : vector<16xi32> to vector<16x1xi32>
      %parallel_loop3A_862 = vector.shape_cast %parallel_loop3A_861 : vector<16x1xi32> to vector<16xi32>
      %parallel_loop3A_863 = tpu.dynamic_gather %parallel_loop3A_583[%parallel_loop3A_862] in [0] : vector<16xf32>, vector<16xi32> -> vector<16xf32>
      %parallel_loop3A_864 = arith.mulf %convert_element_type3A, %parallel_loop3A_858 : vector<16xf32>
      %parallel_loop3A_865 = arith.mulf %convert_element_type3A_18, %parallel_loop3A_863 : vector<16xf32>
      %parallel_loop3A_866 = arith.addf %parallel_loop3A_864, %parallel_loop3A_865 : vector<16xf32>
      %parallel_loop3A_867 = arith.mulf %sub3A_20, %parallel_loop3A_858 : vector<16xf32>
      %parallel_loop3A_868 = arith.mulf %sub3A_23, %parallel_loop3A_863 : vector<16xf32>
      %parallel_loop3A_869 = arith.addf %parallel_loop3A_867, %parallel_loop3A_868 : vector<16xf32>
      %parallel_loop3A_870 = vector.shape_cast %mul3A_29 : vector<16xi32> to vector<16x1xi32>
      %parallel_loop3A_871 = vector.shape_cast %parallel_loop3A_870 : vector<16x1xi32> to vector<16xi32>
      %parallel_loop3A_872 = tpu.dynamic_gather %parallel_loop3A_842[%parallel_loop3A_871] in [0] : vector<16xf32>, vector<16xi32> -> vector<16xf32>
      %parallel_loop3A_873 = arith.addf %parallel_loop3A_872, %parallel_loop3A_866 : vector<16xf32>
      %parallel_loop3A_874 = arith.constant 1 : i32
      %parallel_loop3A_875 = vector.broadcast %parallel_loop3A_874 : i32 to vector<16xi32>
      %parallel_loop3A_876 = arith.addi %mul3A_29, %parallel_loop3A_875 : vector<16xi32>
      %parallel_loop3A_877 = vector.shape_cast %parallel_loop3A_876 : vector<16xi32> to vector<16x1xi32>
      %parallel_loop3A_878 = vector.shape_cast %parallel_loop3A_877 : vector<16x1xi32> to vector<16xi32>
      %parallel_loop3A_879 = tpu.dynamic_gather %parallel_loop3A_842[%parallel_loop3A_878] in [0] : vector<16xf32>, vector<16xi32> -> vector<16xf32>
      %parallel_loop3A_880 = arith.addf %parallel_loop3A_879, %parallel_loop3A_869 : vector<16xf32>
      %parallel_loop3A_881 = arith.cmpf olt, %parallel_loop3A_880, %parallel_loop3A_873 : vector<16xf32>
      %parallel_loop3A_882 = arith.constant 1 : i32
      %parallel_loop3A_883 = arith.constant 0 : i32
      %parallel_loop3A_884 = vector.broadcast %parallel_loop3A_882 : i32 to vector<16xi32>
      %parallel_loop3A_885 = vector.broadcast %parallel_loop3A_883 : i32 to vector<16xi32>
      %parallel_loop3A_886 = arith.select %parallel_loop3A_881, %parallel_loop3A_884, %parallel_loop3A_885 : vector<16xi1>, vector<16xi32>
      %parallel_loop3A_887 = arith.minimumf %parallel_loop3A_873, %parallel_loop3A_880 : vector<16xf32>
      %parallel_loop3A_888 = arith.addi %mul3A_29, %parallel_loop3A_886 : vector<16xi32>
      %parallel_loop3A_889 = arith.constant 8 : i32
      %parallel_loop3A_890 = arith.muli %parallel_loop3A_173, %parallel_loop3A_889 : i32
      %parallel_loop3A_891 = arith.constant 1024 : i32
      %parallel_loop3A_892 = arith.addi %parallel_loop3A_891, %parallel_loop3A_890 : i32
      %parallel_loop3A_893 = arith.constant 6 : i32
      %parallel_loop3A_894 = arith.addi %parallel_loop3A_892, %parallel_loop3A_893 : i32
      %parallel_loop3A_895 = arith.constant 16 : i32
      %parallel_loop3A_896 = arith.muli %parallel_loop3A_894, %parallel_loop3A_895 : i32
      %parallel_loop3A_897 = arith.index_cast %parallel_loop3A_896 : i32 to index
      %parallel_loop3A_898 = tpu.vector_load %arg5[%parallel_loop3A_897] {strides = array<i32>} : memref<32768xi32, #tpu.memory_space<vmem>>, vector<16xi32>,
      tpu.vector_store %arg5[%parallel_loop3A_897], %parallel_loop3A_888 {strides = array<i32>} : memref<32768xi32, #tpu.memory_space<vmem>>, vector<16xi32>,
      %parallel_loop3A_899 = arith.constant 14 : i32
      %parallel_loop3A_900 = vector.broadcast %parallel_loop3A_899 : i32 to vector<16xi32>
      %parallel_loop3A_901 = vector.shape_cast %parallel_loop3A_900 : vector<16xi32> to vector<16x1xi32>
      %parallel_loop3A_902 = vector.shape_cast %parallel_loop3A_901 : vector<16x1xi32> to vector<16xi32>
      %parallel_loop3A_903 = tpu.dynamic_gather %parallel_loop3A_583[%parallel_loop3A_902] in [0] : vector<16xf32>, vector<16xi32> -> vector<16xf32>
      %parallel_loop3A_904 = arith.constant 15 : i32
      %parallel_loop3A_905 = vector.broadcast %parallel_loop3A_904 : i32 to vector<16xi32>
      %parallel_loop3A_906 = vector.shape_cast %parallel_loop3A_905 : vector<16xi32> to vector<16x1xi32>
      %parallel_loop3A_907 = vector.shape_cast %parallel_loop3A_906 : vector<16x1xi32> to vector<16xi32>
      %parallel_loop3A_908 = tpu.dynamic_gather %parallel_loop3A_583[%parallel_loop3A_907] in [0] : vector<16xf32>, vector<16xi32> -> vector<16xf32>
      %parallel_loop3A_909 = arith.mulf %convert_element_type3A, %parallel_loop3A_903 : vector<16xf32>
      %parallel_loop3A_910 = arith.mulf %convert_element_type3A_18, %parallel_loop3A_908 : vector<16xf32>
      %parallel_loop3A_911 = arith.addf %parallel_loop3A_909, %parallel_loop3A_910 : vector<16xf32>
      %parallel_loop3A_912 = arith.mulf %sub3A_20, %parallel_loop3A_903 : vector<16xf32>
      %parallel_loop3A_913 = arith.mulf %sub3A_23, %parallel_loop3A_908 : vector<16xf32>
      %parallel_loop3A_914 = arith.addf %parallel_loop3A_912, %parallel_loop3A_913 : vector<16xf32>
      %parallel_loop3A_915 = vector.shape_cast %mul3A_29 : vector<16xi32> to vector<16x1xi32>
      %parallel_loop3A_916 = vector.shape_cast %parallel_loop3A_915 : vector<16x1xi32> to vector<16xi32>
      %parallel_loop3A_917 = tpu.dynamic_gather %parallel_loop3A_887[%parallel_loop3A_916] in [0] : vector<16xf32>, vector<16xi32> -> vector<16xf32>
      %parallel_loop3A_918 = arith.addf %parallel_loop3A_917, %parallel_loop3A_911 : vector<16xf32>
      %parallel_loop3A_919 = arith.constant 1 : i32
      %parallel_loop3A_920 = vector.broadcast %parallel_loop3A_919 : i32 to vector<16xi32>
      %parallel_loop3A_921 = arith.addi %mul3A_29, %parallel_loop3A_920 : vector<16xi32>
      %parallel_loop3A_922 = vector.shape_cast %parallel_loop3A_921 : vector<16xi32> to vector<16x1xi32>
      %parallel_loop3A_923 = vector.shape_cast %parallel_loop3A_922 : vector<16x1xi32> to vector<16xi32>
      %parallel_loop3A_924 = tpu.dynamic_gather %parallel_loop3A_887[%parallel_loop3A_923] in [0] : vector<16xf32>, vector<16xi32> -> vector<16xf32>
      %parallel_loop3A_925 = arith.addf %parallel_loop3A_924, %parallel_loop3A_914 : vector<16xf32>
      %parallel_loop3A_926 = arith.cmpf olt, %parallel_loop3A_925, %parallel_loop3A_918 : vector<16xf32>
      %parallel_loop3A_927 = arith.constant 1 : i32
      %parallel_loop3A_928 = arith.constant 0 : i32
      %parallel_loop3A_929 = vector.broadcast %parallel_loop3A_927 : i32 to vector<16xi32>
      %parallel_loop3A_930 = vector.broadcast %parallel_loop3A_928 : i32 to vector<16xi32>
      %parallel_loop3A_931 = arith.select %parallel_loop3A_926, %parallel_loop3A_929, %parallel_loop3A_930 : vector<16xi1>, vector<16xi32>
      %parallel_loop3A_932 = arith.minimumf %parallel_loop3A_918, %parallel_loop3A_925 : vector<16xf32>
      %parallel_loop3A_933 = arith.addi %mul3A_29, %parallel_loop3A_931 : vector<16xi32>
      %parallel_loop3A_934 = arith.constant 8 : i32
      %parallel_loop3A_935 = arith.muli %parallel_loop3A_173, %parallel_loop3A_934 : i32
      %parallel_loop3A_936 = arith.constant 1024 : i32
      %parallel_loop3A_937 = arith.addi %parallel_loop3A_936, %parallel_loop3A_935 : i32
      %parallel_loop3A_938 = arith.constant 7 : i32
      %parallel_loop3A_939 = arith.addi %parallel_loop3A_937, %parallel_loop3A_938 : i32
      %parallel_loop3A_940 = arith.constant 16 : i32
      %parallel_loop3A_941 = arith.muli %parallel_loop3A_939, %parallel_loop3A_940 : i32
      %parallel_loop3A_942 = arith.index_cast %parallel_loop3A_941 : i32 to index
      %parallel_loop3A_943 = tpu.vector_load %arg5[%parallel_loop3A_942] {strides = array<i32>} : memref<32768xi32, #tpu.memory_space<vmem>>, vector<16xi32>,
      tpu.vector_store %arg5[%parallel_loop3A_942], %parallel_loop3A_933 {strides = array<i32>} : memref<32768xi32, #tpu.memory_space<vmem>>, vector<16xi32>,
      scf.yield %parallel_loop3A_548, %parallel_loop3A_932 : vector<16xf32>, vector<16xf32>
    } {sc.loop_unroll_factor = 2 : i64, sc.parallel_access}
    %xor3A_41 = arith.constant 1 : i32
    %xor3A_42 = vector.broadcast %xor3A_41 : i32 to vector<16xi32>
    %xor3A_43 = arith.xori %iota3A, %xor3A_42 : vector<16xi32>
    %broadcast_in_dim3A_44 = vector.shape_cast %xor3A_43 : vector<16xi32> to vector<16x1xi32>
    %gather3A = vector.shape_cast %broadcast_in_dim3A_44 : vector<16x1xi32> to vector<16xi32>
    %gather3A_45 = tpu.dynamic_gather %parallel_loop3A_40#0[%gather3A] in [0] : vector<16xf32>, vector<16xi32> -> vector<16xf32>
    %min3A = arith.minimumf %parallel_loop3A_40#0, %gather3A_45 : vector<16xf32>
    %xor3A_46 = arith.constant 2 : i32
    %xor3A_47 = vector.broadcast %xor3A_46 : i32 to vector<16xi32>
    %xor3A_48 = arith.xori %iota3A, %xor3A_47 : vector<16xi32>
    %broadcast_in_dim3A_49 = vector.shape_cast %xor3A_48 : vector<16xi32> to vector<16x1xi32>
    %gather3A_50 = vector.shape_cast %broadcast_in_dim3A_49 : vector<16x1xi32> to vector<16xi32>
    %gather3A_51 = tpu.dynamic_gather %min3A[%gather3A_50] in [0] : vector<16xf32>, vector<16xi32> -> vector<16xf32>
    %min3A_52 = arith.minimumf %min3A, %gather3A_51 : vector<16xf32>
    %xor3A_53 = arith.constant 4 : i32
    %xor3A_54 = vector.broadcast %xor3A_53 : i32 to vector<16xi32>
    %xor3A_55 = arith.xori %iota3A, %xor3A_54 : vector<16xi32>
    %broadcast_in_dim3A_56 = vector.shape_cast %xor3A_55 : vector<16xi32> to vector<16x1xi32>
    %gather3A_57 = vector.shape_cast %broadcast_in_dim3A_56 : vector<16x1xi32> to vector<16xi32>
    %gather3A_58 = tpu.dynamic_gather %min3A_52[%gather3A_57] in [0] : vector<16xf32>, vector<16xi32> -> vector<16xf32>
    %min3A_59 = arith.minimumf %min3A_52, %gather3A_58 : vector<16xf32>
    %xor3A_60 = arith.constant 8 : i32
    %xor3A_61 = vector.broadcast %xor3A_60 : i32 to vector<16xi32>
    %xor3A_62 = arith.xori %iota3A, %xor3A_61 : vector<16xi32>
    %broadcast_in_dim3A_63 = vector.shape_cast %xor3A_62 : vector<16xi32> to vector<16x1xi32>
    %gather3A_64 = vector.shape_cast %broadcast_in_dim3A_63 : vector<16x1xi32> to vector<16xi32>
    %gather3A_65 = tpu.dynamic_gather %min3A_59[%gather3A_64] in [0] : vector<16xf32>, vector<16xi32> -> vector<16xf32>
    %min3A_66 = arith.minimumf %min3A_59, %gather3A_65 : vector<16xf32>
    %eq3A_67 = arith.cmpf oeq, %parallel_loop3A_40#0, %min3A_66 : vector<16xf32>
    %jit3A_68 = arith.constant 16 : i32
    %broadcast_in_dim3A_69 = vector.broadcast %jit3A_68 : i32 to vector<16xi32>
    %select_n3A_70 = arith.select %eq3A_67, %iota3A, %broadcast_in_dim3A_69 : vector<16xi1>, vector<16xi32>
    %xor3A_71 = arith.constant 1 : i32
    %xor3A_72 = vector.broadcast %xor3A_71 : i32 to vector<16xi32>
    %xor3A_73 = arith.xori %iota3A, %xor3A_72 : vector<16xi32>
    %broadcast_in_dim3A_74 = vector.shape_cast %xor3A_73 : vector<16xi32> to vector<16x1xi32>
    %gather3A_75 = vector.shape_cast %broadcast_in_dim3A_74 : vector<16x1xi32> to vector<16xi32>
    %gather3A_76 = tpu.dynamic_gather %select_n3A_70[%gather3A_75] in [0] : vector<16xi32>, vector<16xi32> -> vector<16xi32>
    %min3A_77 = arith.minsi %select_n3A_70, %gather3A_76 : vector<16xi32>
    %xor3A_78 = arith.constant 2 : i32
    %xor3A_79 = vector.broadcast %xor3A_78 : i32 to vector<16xi32>
    %xor3A_80 = arith.xori %iota3A, %xor3A_79 : vector<16xi32>
    %broadcast_in_dim3A_81 = vector.shape_cast %xor3A_80 : vector<16xi32> to vector<16x1xi32>
    %gather3A_82 = vector.shape_cast %broadcast_in_dim3A_81 : vector<16x1xi32> to vector<16xi32>
    %gather3A_83 = tpu.dynamic_gather %min3A_77[%gather3A_82] in [0] : vector<16xi32>, vector<16xi32> -> vector<16xi32>
    %min3A_84 = arith.minsi %min3A_77, %gather3A_83 : vector<16xi32>
    %xor3A_85 = arith.constant 4 : i32
    %xor3A_86 = vector.broadcast %xor3A_85 : i32 to vector<16xi32>
    %xor3A_87 = arith.xori %iota3A, %xor3A_86 : vector<16xi32>
    %broadcast_in_dim3A_88 = vector.shape_cast %xor3A_87 : vector<16xi32> to vector<16x1xi32>
    %gather3A_89 = vector.shape_cast %broadcast_in_dim3A_88 : vector<16x1xi32> to vector<16xi32>
    %gather3A_90 = tpu.dynamic_gather %min3A_84[%gather3A_89] in [0] : vector<16xi32>, vector<16xi32> -> vector<16xi32>
    %min3A_91 = arith.minsi %min3A_84, %gather3A_90 : vector<16xi32>
    %xor3A_92 = arith.constant 8 : i32
    %xor3A_93 = vector.broadcast %xor3A_92 : i32 to vector<16xi32>
    %xor3A_94 = arith.xori %iota3A, %xor3A_93 : vector<16xi32>
    %broadcast_in_dim3A_95 = vector.shape_cast %xor3A_94 : vector<16xi32> to vector<16x1xi32>
    %gather3A_96 = vector.shape_cast %broadcast_in_dim3A_95 : vector<16x1xi32> to vector<16xi32>
    %gather3A_97 = tpu.dynamic_gather %min3A_91[%gather3A_96] in [0] : vector<16xi32>, vector<16xi32> -> vector<16xi32>
    %min3A_98 = arith.minsi %min3A_91, %gather3A_97 : vector<16xi32>
    %xor3A_99 = arith.constant 1 : i32
    %xor3A_100 = vector.broadcast %xor3A_99 : i32 to vector<16xi32>
    %xor3A_101 = arith.xori %iota3A, %xor3A_100 : vector<16xi32>
    %broadcast_in_dim3A_102 = vector.shape_cast %xor3A_101 : vector<16xi32> to vector<16x1xi32>
    %gather3A_103 = vector.shape_cast %broadcast_in_dim3A_102 : vector<16x1xi32> to vector<16xi32>
    %gather3A_104 = tpu.dynamic_gather %parallel_loop3A_40#1[%gather3A_103] in [0] : vector<16xf32>, vector<16xi32> -> vector<16xf32>
    %min3A_105 = arith.minimumf %parallel_loop3A_40#1, %gather3A_104 : vector<16xf32>
    %xor3A_106 = arith.constant 2 : i32
    %xor3A_107 = vector.broadcast %xor3A_106 : i32 to vector<16xi32>
    %xor3A_108 = arith.xori %iota3A, %xor3A_107 : vector<16xi32>
    %broadcast_in_dim3A_109 = vector.shape_cast %xor3A_108 : vector<16xi32> to vector<16x1xi32>
    %gather3A_110 = vector.shape_cast %broadcast_in_dim3A_109 : vector<16x1xi32> to vector<16xi32>
    %gather3A_111 = tpu.dynamic_gather %min3A_105[%gather3A_110] in [0] : vector<16xf32>, vector<16xi32> -> vector<16xf32>
    %min3A_112 = arith.minimumf %min3A_105, %gather3A_111 : vector<16xf32>
    %xor3A_113 = arith.constant 4 : i32
    %xor3A_114 = vector.broadcast %xor3A_113 : i32 to vector<16xi32>
    %xor3A_115 = arith.xori %iota3A, %xor3A_114 : vector<16xi32>
    %broadcast_in_dim3A_116 = vector.shape_cast %xor3A_115 : vector<16xi32> to vector<16x1xi32>
    %gather3A_117 = vector.shape_cast %broadcast_in_dim3A_116 : vector<16x1xi32> to vector<16xi32>
    %gather3A_118 = tpu.dynamic_gather %min3A_112[%gather3A_117] in [0] : vector<16xf32>, vector<16xi32> -> vector<16xf32>
    %min3A_119 = arith.minimumf %min3A_112, %gather3A_118 : vector<16xf32>
    %xor3A_120 = arith.constant 8 : i32
    %xor3A_121 = vector.broadcast %xor3A_120 : i32 to vector<16xi32>
    %xor3A_122 = arith.xori %iota3A, %xor3A_121 : vector<16xi32>
    %broadcast_in_dim3A_123 = vector.shape_cast %xor3A_122 : vector<16xi32> to vector<16x1xi32>
    %gather3A_124 = vector.shape_cast %broadcast_in_dim3A_123 : vector<16x1xi32> to vector<16xi32>
    %gather3A_125 = tpu.dynamic_gather %min3A_119[%gather3A_124] in [0] : vector<16xf32>, vector<16xi32> -> vector<16xf32>
    %min3A_126 = arith.minimumf %min3A_119, %gather3A_125 : vector<16xf32>
    %eq3A_127 = arith.cmpf oeq, %parallel_loop3A_40#1, %min3A_126 : vector<16xf32>
    %jit3A_128 = arith.constant 16 : i32
    %broadcast_in_dim3A_129 = vector.broadcast %jit3A_128 : i32 to vector<16xi32>
    %select_n3A_130 = arith.select %eq3A_127, %iota3A, %broadcast_in_dim3A_129 : vector<16xi1>, vector<16xi32>
    %xor3A_131 = arith.constant 1 : i32
    %xor3A_132 = vector.broadcast %xor3A_131 : i32 to vector<16xi32>
    %xor3A_133 = arith.xori %iota3A, %xor3A_132 : vector<16xi32>
    %broadcast_in_dim3A_134 = vector.shape_cast %xor3A_133 : vector<16xi32> to vector<16x1xi32>
    %gather3A_135 = vector.shape_cast %broadcast_in_dim3A_134 : vector<16x1xi32> to vector<16xi32>
    %gather3A_136 = tpu.dynamic_gather %select_n3A_130[%gather3A_135] in [0] : vector<16xi32>, vector<16xi32> -> vector<16xi32>
    %min3A_137 = arith.minsi %select_n3A_130, %gather3A_136 : vector<16xi32>
    %xor3A_138 = arith.constant 2 : i32
    %xor3A_139 = vector.broadcast %xor3A_138 : i32 to vector<16xi32>
    %xor3A_140 = arith.xori %iota3A, %xor3A_139 : vector<16xi32>
    %broadcast_in_dim3A_141 = vector.shape_cast %xor3A_140 : vector<16xi32> to vector<16x1xi32>
    %gather3A_142 = vector.shape_cast %broadcast_in_dim3A_141 : vector<16x1xi32> to vector<16xi32>
    %gather3A_143 = tpu.dynamic_gather %min3A_137[%gather3A_142] in [0] : vector<16xi32>, vector<16xi32> -> vector<16xi32>
    %min3A_144 = arith.minsi %min3A_137, %gather3A_143 : vector<16xi32>
    %xor3A_145 = arith.constant 4 : i32
    %xor3A_146 = vector.broadcast %xor3A_145 : i32 to vector<16xi32>
    %xor3A_147 = arith.xori %iota3A, %xor3A_146 : vector<16xi32>
    %broadcast_in_dim3A_148 = vector.shape_cast %xor3A_147 : vector<16xi32> to vector<16x1xi32>
    %gather3A_149 = vector.shape_cast %broadcast_in_dim3A_148 : vector<16x1xi32> to vector<16xi32>
    %gather3A_150 = tpu.dynamic_gather %min3A_144[%gather3A_149] in [0] : vector<16xi32>, vector<16xi32> -> vector<16xi32>
    %min3A_151 = arith.minsi %min3A_144, %gather3A_150 : vector<16xi32>
    %xor3A_152 = arith.constant 8 : i32
    %xor3A_153 = vector.broadcast %xor3A_152 : i32 to vector<16xi32>
    %xor3A_154 = arith.xori %iota3A, %xor3A_153 : vector<16xi32>
    %broadcast_in_dim3A_155 = vector.shape_cast %xor3A_154 : vector<16xi32> to vector<16x1xi32>
    %gather3A_156 = vector.shape_cast %broadcast_in_dim3A_155 : vector<16x1xi32> to vector<16xi32>
    %gather3A_157 = tpu.dynamic_gather %min3A_151[%gather3A_156] in [0] : vector<16xi32>, vector<16xi32> -> vector<16xi32>
    %min3A_158 = arith.minsi %min3A_151, %gather3A_157 : vector<16xi32>
    %swap3A = arith.constant 16368 : index
    %swap3A_159 = tpu.vector_load %arg6[%swap3A] {strides = array<i32>} : memref<32768xi32, #tpu.memory_space<vmem>>, vector<16xi32>,
    tpu.vector_store %arg6[%swap3A], %iota3A {strides = array<i32>} : memref<32768xi32, #tpu.memory_space<vmem>>, vector<16xi32>,
    %swap3A_160 = arith.constant 32752 : index
    %swap3A_161 = tpu.vector_load %arg6[%swap3A_160] {strides = array<i32>} : memref<32768xi32, #tpu.memory_space<vmem>>, vector<16xi32>,
    tpu.vector_store %arg6[%swap3A_160], %iota3A {strides = array<i32>} : memref<32768xi32, #tpu.memory_space<vmem>>, vector<16xi32>,
    %parallel_loop3A_162 = arith.constant 1 : i32
    %parallel_loop3A_163 = arith.constant 1024 : i32
    %parallel_loop3A_164 = arith.constant 1 : i32
    %parallel_loop3A_165:2 = scf.for %parallel_loop3A_173 = %parallel_loop3A_162 to %parallel_loop3A_163 step %parallel_loop3A_164 iter_args(%parallel_loop3A_174 = %iota3A, %parallel_loop3A_175 = %iota3A) -> (vector<16xi32>, vector<16xi32>)  : i32 {
      %parallel_loop3A_176 = arith.constant 1023 : i32
      %parallel_loop3A_177 = arith.subi %parallel_loop3A_176, %parallel_loop3A_173 : i32
      %parallel_loop3A_178 = arith.constant 0 : i32
      %parallel_loop3A_179 = arith.addi %parallel_loop3A_178, %parallel_loop3A_177 : i32
      %parallel_loop3A_180 = arith.constant 1 : i32
      %parallel_loop3A_181 = arith.addi %parallel_loop3A_179, %parallel_loop3A_180 : i32
      %parallel_loop3A_182 = arith.constant 16 : i32
      %parallel_loop3A_183 = arith.muli %parallel_loop3A_181, %parallel_loop3A_182 : i32
      %parallel_loop3A_184 = arith.index_cast %parallel_loop3A_183 : i32 to index
      %parallel_loop3A_185 = tpu.vector_load %arg5[%parallel_loop3A_184] {strides = array<i32>} : memref<32768xi32, #tpu.memory_space<vmem>>, vector<16xi32>,
      %parallel_loop3A_186 = vector.shape_cast %parallel_loop3A_174 : vector<16xi32> to vector<16x1xi32>
      %parallel_loop3A_187 = vector.shape_cast %parallel_loop3A_186 : vector<16x1xi32> to vector<16xi32>
      %parallel_loop3A_188 = tpu.dynamic_gather %parallel_loop3A_185[%parallel_loop3A_187] in [0] : vector<16xi32>, vector<16xi32> -> vector<16xi32>
      %parallel_loop3A_189 = arith.constant 0 : i32
      %parallel_loop3A_190 = arith.addi %parallel_loop3A_189, %parallel_loop3A_177 : i32
      %parallel_loop3A_191 = arith.constant 16 : i32
      %parallel_loop3A_192 = arith.muli %parallel_loop3A_190, %parallel_loop3A_191 : i32
      %parallel_loop3A_193 = arith.index_cast %parallel_loop3A_192 : i32 to index
      %parallel_loop3A_194 = tpu.vector_load %arg6[%parallel_loop3A_193] {strides = array<i32>} : memref<32768xi32, #tpu.memory_space<vmem>>, vector<16xi32>,
      tpu.vector_store %arg6[%parallel_loop3A_193], %parallel_loop3A_188 {strides = array<i32>} : memref<32768xi32, #tpu.memory_space<vmem>>, vector<16xi32>,
      %parallel_loop3A_195 = arith.constant 1024 : i32
      %parallel_loop3A_196 = arith.addi %parallel_loop3A_195, %parallel_loop3A_177 : i32
      %parallel_loop3A_197 = arith.constant 1 : i32
      %parallel_loop3A_198 = arith.addi %parallel_loop3A_196, %parallel_loop3A_197 : i32
      %parallel_loop3A_199 = arith.constant 16 : i32
      %parallel_loop3A_200 = arith.muli %parallel_loop3A_198, %parallel_loop3A_199 : i32
      %parallel_loop3A_201 = arith.index_cast %parallel_loop3A_200 : i32 to index
      %parallel_loop3A_202 = tpu.vector_load %arg5[%parallel_loop3A_201] {strides = array<i32>} : memref<32768xi32, #tpu.memory_space<vmem>>, vector<16xi32>,
      %parallel_loop3A_203 = vector.shape_cast %parallel_loop3A_175 : vector<16xi32> to vector<16x1xi32>
      %parallel_loop3A_204 = vector.shape_cast %parallel_loop3A_203 : vector<16x1xi32> to vector<16xi32>
      %parallel_loop3A_205 = tpu.dynamic_gather %parallel_loop3A_202[%parallel_loop3A_204] in [0] : vector<16xi32>, vector<16xi32> -> vector<16xi32>
      %parallel_loop3A_206 = arith.constant 1024 : i32
      %parallel_loop3A_207 = arith.addi %parallel_loop3A_206, %parallel_loop3A_177 : i32
      %parallel_loop3A_208 = arith.constant 16 : i32
      %parallel_loop3A_209 = arith.muli %parallel_loop3A_207, %parallel_loop3A_208 : i32
      %parallel_loop3A_210 = arith.index_cast %parallel_loop3A_209 : i32 to index
      %parallel_loop3A_211 = tpu.vector_load %arg6[%parallel_loop3A_210] {strides = array<i32>} : memref<32768xi32, #tpu.memory_space<vmem>>, vector<16xi32>,
      tpu.vector_store %arg6[%parallel_loop3A_210], %parallel_loop3A_205 {strides = array<i32>} : memref<32768xi32, #tpu.memory_space<vmem>>, vector<16xi32>,
      scf.yield %parallel_loop3A_188, %parallel_loop3A_205 : vector<16xi32>, vector<16xi32>
    } {sc.loop_unroll_factor = 8 : i64, sc.parallel_access}
    %parallel_loop3A_166 = arith.constant 0 : i32
    %parallel_loop3A_167 = arith.constant 64 : i32
    %parallel_loop3A_168 = arith.constant 1 : i32
    scf.for %parallel_loop3A_173 = %parallel_loop3A_166 to %parallel_loop3A_167 step %parallel_loop3A_168  : i32 {
      %parallel_loop3A_174 = arith.constant 16 : i32
      %parallel_loop3A_175 = arith.muli %parallel_loop3A_173, %parallel_loop3A_174 : i32
      %parallel_loop3A_176 = arith.constant 0 : i32
      %parallel_loop3A_177 = arith.addi %parallel_loop3A_176, %parallel_loop3A_175 : i32
      %parallel_loop3A_178 = vector.broadcast %parallel_loop3A_177 : i32 to vector<16xi32>
      %parallel_loop3A_179 = arith.addi %parallel_loop3A_178, %iota3A : vector<16xi32>
      %parallel_loop3A_180 = arith.constant 16 : i32
      %parallel_loop3A_181 = vector.broadcast %parallel_loop3A_180 : i32 to vector<16xi32>
      %parallel_loop3A_182 = arith.muli %parallel_loop3A_179, %parallel_loop3A_181 : vector<16xi32>
      %parallel_loop3A_183 = arith.addi %parallel_loop3A_182, %min3A_98 : vector<16xi32>
      %parallel_loop3A_184 = tpu.vector_load_idx %arg6[%parallel_loop3A_183] : memref<32768xi32, #tpu.memory_space<vmem>>[vector<16xi32>], vector<16xi32>,
      %parallel_loop3A_185 = arith.constant 3 : i32
      %parallel_loop3A_186 = vector.broadcast %parallel_loop3A_185 : i32 to vector<16xi32>
      %parallel_loop3A_187 = arith.shrui %parallel_loop3A_184, %parallel_loop3A_186 : vector<16xi32>
      %parallel_loop3A_188 = arith.sitofp %parallel_loop3A_187 : vector<16xi32> to vector<16xf32>
      %parallel_loop3A_189 = arith.constant 16 : i32
      %parallel_loop3A_190 = arith.muli %parallel_loop3A_173, %parallel_loop3A_189 : i32
      %parallel_loop3A_191 = arith.constant 0 : i32
      %parallel_loop3A_192 = arith.addi %parallel_loop3A_191, %parallel_loop3A_190 : i32
      %parallel_loop3A_193 = arith.index_cast %parallel_loop3A_192 : i32 to index
      %parallel_loop3A_194 = tpu.vector_load %arg7[%parallel_loop3A_193] {strides = array<i32>} : memref<2048xf32, #tpu.memory_space<vmem>>, vector<16xf32>,
      tpu.vector_store %arg7[%parallel_loop3A_193], %parallel_loop3A_188 {strides = array<i32>} : memref<2048xf32, #tpu.memory_space<vmem>>, vector<16xf32>,
      %parallel_loop3A_195 = arith.constant 16 : i32
      %parallel_loop3A_196 = arith.muli %parallel_loop3A_173, %parallel_loop3A_195 : i32
      %parallel_loop3A_197 = arith.constant 1024 : i32
      %parallel_loop3A_198 = arith.addi %parallel_loop3A_197, %parallel_loop3A_196 : i32
      %parallel_loop3A_199 = vector.broadcast %parallel_loop3A_198 : i32 to vector<16xi32>
      %parallel_loop3A_200 = arith.addi %parallel_loop3A_199, %iota3A : vector<16xi32>
      %parallel_loop3A_201 = arith.constant 16 : i32
      %parallel_loop3A_202 = vector.broadcast %parallel_loop3A_201 : i32 to vector<16xi32>
      %parallel_loop3A_203 = arith.muli %parallel_loop3A_200, %parallel_loop3A_202 : vector<16xi32>
      %parallel_loop3A_204 = arith.addi %parallel_loop3A_203, %min3A_158 : vector<16xi32>
      %parallel_loop3A_205 = tpu.vector_load_idx %arg6[%parallel_loop3A_204] : memref<32768xi32, #tpu.memory_space<vmem>>[vector<16xi32>], vector<16xi32>,
      %parallel_loop3A_206 = arith.constant 3 : i32
      %parallel_loop3A_207 = vector.broadcast %parallel_loop3A_206 : i32 to vector<16xi32>
      %parallel_loop3A_208 = arith.shrui %parallel_loop3A_205, %parallel_loop3A_207 : vector<16xi32>
      %parallel_loop3A_209 = arith.sitofp %parallel_loop3A_208 : vector<16xi32> to vector<16xf32>
      %parallel_loop3A_210 = arith.constant 16 : i32
      %parallel_loop3A_211 = arith.muli %parallel_loop3A_173, %parallel_loop3A_210 : i32
      %parallel_loop3A_212 = arith.constant 1024 : i32
      %parallel_loop3A_213 = arith.addi %parallel_loop3A_212, %parallel_loop3A_211 : i32
      %parallel_loop3A_214 = arith.index_cast %parallel_loop3A_213 : i32 to index
      %parallel_loop3A_215 = tpu.vector_load %arg7[%parallel_loop3A_214] {strides = array<i32>} : memref<2048xf32, #tpu.memory_space<vmem>>, vector<16xf32>,
      tpu.vector_store %arg7[%parallel_loop3A_214], %parallel_loop3A_209 {strides = array<i32>} : memref<2048xf32, #tpu.memory_space<vmem>>, vector<16xf32>,
    } {sc.loop_unroll_factor = 4 : i64, sc.parallel_access}
    %add3A_169 = arith.constant 0 : i32
    %add3A_170 = arith.addi %mul3A_2, %add3A_169 : i32
    "tpu.region"() ({
      %run_scoped3A = tpu.sem_alloc : memref<!tpu.dma_semaphore, #tpu.memory_space<semaphore_mem>>
      %dma_start3A = arith.constant 0 : i32
      %dma_start3A_173 = tpu.memref_slice %arg7[%dma_start3A] : memref<2048xf32, #tpu.memory_space<vmem>> -> memref<1024xf32, #tpu.memory_space<vmem>>
      %dma_start3A_174 = arith.constant 0 : i32
      %dma_start3A_175 = tpu.memref_slice %arg3[%add3A_170, %dma_start3A_174] : memref<64x1024xf32, #tpu.memory_space<hbm>> -> memref<1x1024xf32, #tpu.memory_space<hbm>>
      %dma_start3A_176 = tpu.memref_squeeze %dma_start3A_175 : memref<1x1024xf32, #tpu.memory_space<hbm>> -> memref<1024xf32, #tpu.memory_space<hbm>>
      %dma_start3A_177 = arith.constant 0 : i32
      %dma_start3A_178 = tpu.memref_slice %arg3[%add3A_170, %dma_start3A_177] : memref<64x1024xf32, #tpu.memory_space<hbm>> -> memref<1x1024xf32, #tpu.memory_space<hbm>>
      %dma_start3A_179 = tpu.memref_squeeze %dma_start3A_178 : memref<1x1024xf32, #tpu.memory_space<hbm>> -> memref<1024xf32, #tpu.memory_space<hbm>>
      %dma_start3A_180 = arith.constant 0 : i32
      %dma_start3A_181 = tpu.memref_slice %arg7[%dma_start3A_180] : memref<2048xf32, #tpu.memory_space<vmem>> -> memref<1024xf32, #tpu.memory_space<vmem>>
      tpu.enqueue_dma source(%dma_start3A_181 : memref<1024xf32, #tpu.memory_space<vmem>>) target(%dma_start3A_179 : memref<1024xf32, #tpu.memory_space<hbm>>) target_semaphore(%run_scoped3A : memref<!tpu.dma_semaphore, #tpu.memory_space<semaphore_mem>>)
      %dma_wait3A = arith.constant 0 : i32
      %dma_wait3A_182 = tpu.memref_slice %arg7[%dma_wait3A] : memref<2048xf32, #tpu.memory_space<vmem>> -> memref<1024xf32, #tpu.memory_space<vmem>>
      %dma_wait3A_183 = arith.constant 0 : i32
      %dma_wait3A_184 = tpu.memref_slice %arg3[%add3A_170, %dma_wait3A_183] : memref<64x1024xf32, #tpu.memory_space<hbm>> -> memref<1x1024xf32, #tpu.memory_space<hbm>>
      %dma_wait3A_185 = tpu.memref_squeeze %dma_wait3A_184 : memref<1x1024xf32, #tpu.memory_space<hbm>> -> memref<1024xf32, #tpu.memory_space<hbm>>
      %dma_wait3A_186 = arith.constant 0 : i32
      %dma_wait3A_187 = tpu.memref_slice %arg3[%add3A_170, %dma_wait3A_186] : memref<64x1024xf32, #tpu.memory_space<hbm>> -> memref<1x1024xf32, #tpu.memory_space<hbm>>
      %dma_wait3A_188 = tpu.memref_squeeze %dma_wait3A_187 : memref<1x1024xf32, #tpu.memory_space<hbm>> -> memref<1024xf32, #tpu.memory_space<hbm>>
      %dma_wait3A_189 = arith.constant 0 : i32
      %dma_wait3A_190 = tpu.memref_slice %arg7[%dma_wait3A_189] : memref<2048xf32, #tpu.memory_space<vmem>> -> memref<1024xf32, #tpu.memory_space<vmem>>
      tpu.wait_dma2 semaphore(%run_scoped3A : memref<!tpu.dma_semaphore, #tpu.memory_space<semaphore_mem>>) src(%dma_wait3A_190 : memref<1024xf32, #tpu.memory_space<vmem>>) dst(%dma_wait3A_188 : memref<1024xf32, #tpu.memory_space<hbm>>)
      tpu.yield
    }) : () -> ()
    %add3A_171 = arith.constant 1 : i32
    %add3A_172 = arith.addi %mul3A_2, %add3A_171 : i32
    "tpu.region"() ({
      %run_scoped3A = tpu.sem_alloc : memref<!tpu.dma_semaphore, #tpu.memory_space<semaphore_mem>>
      %dma_start3A = arith.constant 1024 : i32
      %dma_start3A_173 = tpu.memref_slice %arg7[%dma_start3A] : memref<2048xf32, #tpu.memory_space<vmem>> -> memref<1024xf32, #tpu.memory_space<vmem>>
      %dma_start3A_174 = arith.constant 0 : i32
      %dma_start3A_175 = tpu.memref_slice %arg3[%add3A_172, %dma_start3A_174] : memref<64x1024xf32, #tpu.memory_space<hbm>> -> memref<1x1024xf32, #tpu.memory_space<hbm>>
      %dma_start3A_176 = tpu.memref_squeeze %dma_start3A_175 : memref<1x1024xf32, #tpu.memory_space<hbm>> -> memref<1024xf32, #tpu.memory_space<hbm>>
      %dma_start3A_177 = arith.constant 0 : i32
      %dma_start3A_178 = tpu.memref_slice %arg3[%add3A_172, %dma_start3A_177] : memref<64x1024xf32, #tpu.memory_space<hbm>> -> memref<1x1024xf32, #tpu.memory_space<hbm>>
      %dma_start3A_179 = tpu.memref_squeeze %dma_start3A_178 : memref<1x1024xf32, #tpu.memory_space<hbm>> -> memref<1024xf32, #tpu.memory_space<hbm>>
      %dma_start3A_180 = arith.constant 1024 : i32
      %dma_start3A_181 = tpu.memref_slice %arg7[%dma_start3A_180] : memref<2048xf32, #tpu.memory_space<vmem>> -> memref<1024xf32, #tpu.memory_space<vmem>>
      tpu.enqueue_dma source(%dma_start3A_181 : memref<1024xf32, #tpu.memory_space<vmem>>) target(%dma_start3A_179 : memref<1024xf32, #tpu.memory_space<hbm>>) target_semaphore(%run_scoped3A : memref<!tpu.dma_semaphore, #tpu.memory_space<semaphore_mem>>)
      %dma_wait3A = arith.constant 1024 : i32
      %dma_wait3A_182 = tpu.memref_slice %arg7[%dma_wait3A] : memref<2048xf32, #tpu.memory_space<vmem>> -> memref<1024xf32, #tpu.memory_space<vmem>>
      %dma_wait3A_183 = arith.constant 0 : i32
      %dma_wait3A_184 = tpu.memref_slice %arg3[%add3A_172, %dma_wait3A_183] : memref<64x1024xf32, #tpu.memory_space<hbm>> -> memref<1x1024xf32, #tpu.memory_space<hbm>>
      %dma_wait3A_185 = tpu.memref_squeeze %dma_wait3A_184 : memref<1x1024xf32, #tpu.memory_space<hbm>> -> memref<1024xf32, #tpu.memory_space<hbm>>
      %dma_wait3A_186 = arith.constant 0 : i32
      %dma_wait3A_187 = tpu.memref_slice %arg3[%add3A_172, %dma_wait3A_186] : memref<64x1024xf32, #tpu.memory_space<hbm>> -> memref<1x1024xf32, #tpu.memory_space<hbm>>
      %dma_wait3A_188 = tpu.memref_squeeze %dma_wait3A_187 : memref<1x1024xf32, #tpu.memory_space<hbm>> -> memref<1024xf32, #tpu.memory_space<hbm>>
      %dma_wait3A_189 = arith.constant 1024 : i32
      %dma_wait3A_190 = tpu.memref_slice %arg7[%dma_wait3A_189] : memref<2048xf32, #tpu.memory_space<vmem>> -> memref<1024xf32, #tpu.memory_space<vmem>>
      tpu.wait_dma2 semaphore(%run_scoped3A : memref<!tpu.dma_semaphore, #tpu.memory_space<semaphore_mem>>) src(%dma_wait3A_190 : memref<1024xf32, #tpu.memory_space<vmem>>) dst(%dma_wait3A_188 : memref<1024xf32, #tpu.memory_space<hbm>>)
      tpu.yield
    }) : () -> ()
    return
  }
}

</mosaic_0001>

<sc_bundles>
// kernel: kernel.3.cloned.1.call-start
scs
__scs_entry_jumppad:
0x0: {  	(pc) =	sbr.rel $0x88, $3  }
0x1: {  	(tag) =	ssettag $0x0;
	lr =	simm.s32 $0x1  }
0x2: {  	[smem:$0x3FA0] =	sst lr;
	_ =	strace $0xD0000000  }
0x3: {  	_ = 	snop  }
0x4: {  	_ = 	snop  }
0x5: {  	_ = 	snop  }
0x6: {  	_ = 	snop  }
0x7: {  	_ = 	snop  }
__scs_overlays_trampoline_lowered:
0x8: {  	[smem:$0x3FAF] =	sst s0  }
0x9: {  	[smem:$0x3FB0] =	sst s1  }
0xa: {  	[smem:$0x3FB1] =	sst s2  }
0xb: {  	[smem:$0x3FB2] =	sst s3  }
0xc: {  	[smem:$0x3FB3] =	sst s4  }
0xd: {  	[smem:$0x3FB4] =	sst s5  }
0xe: {  	[smem:$0x3FB5] =	sst s6  }
0xf: {  	[smem:$0x3FB6] =	sst s7  }
0x10: {  	[smem:$0x3FB7] =	sst s8  }
0x11: {  	[smem:$0x3FB8] =	sst s9;
	s0 =	simm.s32 @!p0 $0x0  }
0x12: {  	s1 =	sld [smem:$0x3F9E];
	s0 =	simm.s32 @p0 $0x1  }
0x13: {  	[smem:$0x3FB9] =	sst s0;
	s0 =	simm.s32 @!p1 $0x0  }
0x14: {  	s2 =	sld [smem:$0x3F9D];
	s0 =	simm.s32 @p1 $0x1  }
0x15: {  	[smem:$0x3FBA] =	sst s0;
	s0 =	simm.s32 @!p2 $0x0  }
0x16: {  	s3 =	sld [smem:$0x3FDB];
	s0 =	simm.s32 @p2 $0x1  }
0x17: {  	s4 =	simm.s32 $0x1BF5;
	[smem:$0x3FBC] =	sst s0  }
0x18: {  	s0 =	sld [smem:$0x3F9F];
	_ =	swait.ge [sflag:s4], $0x0  }
0x19: {  	s7 =	sld [smem:$0x3FA0]  }
0x1a: {  	s8 =	sadd.s32 $0xFFFFE003, lr  }
0x1b: {  	s9 =	sadd.s32 $0xFFFFFEF7, lr;
	s5 =	simm.s32 $0xFFFFFFFF;
	p2 =	slt.u32 s8, $0xFFFFF086  }
0x1c: {  	p1 =	slt.u32 s9, $0xF7A;
	s5 =	simm.s32 @!p2 $0x0  }
0x1d: {  	s5 =	simm.s32 @p1 $0x1;
	p0 =	seq.s32 s7, s2  }
0x1e: {  	s7 =	smul.u32 @!p0 $0xF7A, s2;
	p2 =	seq.s32 @!p0 s5, $0x0  }
0x1f: {  	s9 =	smul.u32 $0xF7A, s1;
	s8 =	simm.s32 @!p0 $0x1BF5;
	p2 =	por !p2, p0  }
0x20: {  	[sflag:s8] =	ssyncset.s32 @!p0 $0xFFFFF086;
	s6 =	sadd.s32 @!p0 s3, s7;
	s7 =	simm.s32 @!p0 $0x108  }
0x21: {  	s3 =	sadd.s32 s3, s9;
	s6 =	sadd.s32 @!p0 $0x88, s6;
	s7 =	simm.s32 @p2 $0x1082  }
0x22: {  	[simem:s7], [sflag:s8] =	dma.local @!p0 [hbm:s6], $0xF7A  }
0x23: {  	s9 =	sor.u32 $0xD0000000, s2;
	s6 =	simm.s32 $0x108;
	_ =	swait.ge @!p0 [sflag:s8], $0x0  }
0x24: {  	s3 =	sadd.s32 $0x88, s3;
	s6 =	simm.s32 @!p1 $0x1082;
	[sflag:s4] =	ssyncset.s32 $0xFFFFF086  }
0x25: {  	[simem:s6], [sflag:s4] =	dma.local [hbm:s3], $0xF7A  }
0x26: {  	[smem:$0x3FA0] =	sst s1;
	(tag) =	ssettag s2;
	_ =	strace s9  }
0x27: {  	s1 =	sld [smem:$0x3FB0]  }
0x28: {  	s2 =	sld [smem:$0x3FB1]  }
0x29: {  	s4 =	sld [smem:$0x3FB3]  }
0x2a: {  	p0 =	seq.s32 s5, $0x0;
	s5 =	sld [smem:$0x3FB4]  }
0x2b: {  	s6 =	sld [smem:$0x3FB5]  }
0x2c: {  	s7 =	sld [smem:$0x3FB6]  }
0x2d: {  	s3 =	simm.s32 $0x108;
	s8 =	sld [smem:$0x3FB7]  }
0x2e: {  	s3 =	simm.s32 @!p0 $0x1082;
	s9 =	sld [smem:$0x3FB8]  }
0x2f: {  	lr =	sadd.s32 s0, s3;
	s0 =	sld [smem:$0x3FAF]  }
0x30: {  	s3 =	sld [smem:$0x3FB2]  }
0x31: {  	[smem:$0x3FBB] =	sst s10  }
0x32: {  	s10 =	sld [smem:$0x3FB9];
	_ =	sdelay $0x3  }
0x33: {  	p0 =	seq.s32 s10, $0x1;
	s10 =	sld [smem:$0x3FBB];
	_ =	sdelay $0x3  }
0x34: {  	[smem:$0x3FBB] =	sst s10  }
0x35: {  	s10 =	sld [smem:$0x3FBA];
	_ =	sdelay $0x3  }
0x36: {  	p1 =	seq.s32 s10, $0x1;
	s10 =	sld [smem:$0x3FBB];
	_ =	sdelay $0x3  }
0x37: {  	[smem:$0x3FBB] =	sst s10  }
0x38: {  	s10 =	sld [smem:$0x3FBC]  }
0x39: {  	_ = 	snop;
	(pc) =	sbr.ind lr, $3  }
0x3a: {  	_ = 	snop  }
0x3b: {  	_ = 	snop  }
0x3c: {  	p2 =	seq.s32 s10, $0x1;
	s10 =	sld [smem:$0x3FBB]  }
0x3d: {  	_ =	shalt  }
0x3e: {  	_ =	shalt  }
0x3f: {  	_ =	shalt  }
0x40: {  	_ =	shalt  }
0x41: {  	_ =	shalt  }
0x42: {  	_ =	shalt  }
0x43: {  	_ =	shalt  }
0x44: {  	_ =	shalt  }
0x45: {  	_ =	shalt  }
0x46: {  	_ =	shalt  }
0x47: {  	_ =	shalt  }
0x48: {  	_ =	shalt  }
0x49: {  	_ =	shalt  }
0x4a: {  	_ =	shalt  }
0x4b: {  	_ =	shalt  }
0x4c: {  	_ =	shalt  }
0x4d: {  	_ =	shalt  }
0x4e: {  	_ =	shalt  }
0x4f: {  	_ =	shalt  }
0x50: {  	_ =	shalt  }
0x51: {  	_ =	shalt  }
0x52: {  	_ =	shalt  }
0x53: {  	_ =	shalt  }
0x54: {  	_ =	shalt  }
0x55: {  	_ =	shalt  }
0x56: {  	_ =	shalt  }
0x57: {  	_ =	shalt  }
0x58: {  	_ =	shalt  }
0x59: {  	_ =	shalt  }
0x5a: {  	_ =	shalt  }
0x5b: {  	_ =	shalt  }
0x5c: {  	_ =	shalt  }
0x5d: {  	_ =	shalt  }
0x5e: {  	_ =	shalt  }
0x5f: {  	_ =	shalt  }
0x60: {  	_ =	shalt  }
0x61: {  	_ =	shalt  }
0x62: {  	_ =	shalt  }
0x63: {  	_ =	shalt  }
0x64: {  	_ =	shalt  }
0x65: {  	_ =	shalt  }
0x66: {  	_ =	shalt  }
0x67: {  	_ =	shalt  }
0x68: {  	_ =	shalt  }
0x69: {  	_ =	shalt  }
0x6a: {  	_ =	shalt  }
0x6b: {  	_ =	shalt  }
0x6c: {  	_ =	shalt  }
0x6d: {  	_ =	shalt  }
0x6e: {  	_ =	shalt  }
0x6f: {  	_ =	shalt  }
0x70: {  	_ =	shalt  }
0x71: {  	_ =	shalt  }
0x72: {  	_ =	shalt  }
0x73: {  	_ =	shalt  }
0x74: {  	_ =	shalt  }
0x75: {  	_ =	shalt  }
0x76: {  	_ =	shalt  }
0x77: {  	_ =	shalt  }
0x78: {  	_ =	shalt  }
0x79: {  	_ =	shalt  }
0x7a: {  	_ =	shalt  }
0x7b: {  	_ =	shalt  }
0x7c: {  	_ =	shalt  }
0x7d: {  	_ =	shalt  }
0x7e: {  	_ =	shalt  }
0x7f: {  	_ =	shalt  }
0x80: {  	_ =	shalt  }
0x81: {  	_ =	shalt  }
0x82: {  	_ =	shalt  }
0x83: {  	_ =	shalt  }
0x84: {  	_ =	shalt  }
0x85: {  	_ =	shalt  }
0x86: {  	_ =	shalt  }
0x87: {  	_ =	shalt  }
.Lfunc_end0:
.L_simem_size_0:
called_computation_lowered:
.L_overlay_start_0:
0x88: {  	s2 =	sld [smem:$0x3FD9]  }
0x89: {  	s3 =	sld [smem:$0x3FFE];
	_ =	sdelay $0x1  }
0x8a: {  	s1 =	srdreg.scid  }
0x8b: {  	s0 =	sand.u32 $0x1, s1  }
0x8c: {  	s18 =	sshll.u32 s0, $0xA;
	s2 =	sadd.s32 s3, s2  }
0x8d: {  	s2 =	sadd.s32 s2, s18  }
0x8e: {  	[smem:$0x3FC7] =	sst s2  }
0x8f: {  	_ = 	snop  }
0x90: {  	s2 =	sld [smem:$0x3FC9]  }
0x91: {  	s19 =	sld [smem:$0x3FD0];
	(tm) =	ssettm $0x1  }
0x92: {  	s4 =	sld [smem:$0x3FFB];
	_ =	sdelay $0x3  }
0x93: {  	_ =	strace s4  }
0x94: {  	s4 =	sld [smem:$0x3FFC];
	_ =	sdelay $0x3  }
0x95: {  	_ =	strace s4  }
0x96: {  	s4 =	sld [smem:$0x3FFD];
	_ =	sdelay $0x3  }
0x97: {  	_ =	strace s4  }
0x98: {  	_ =	strace $0x8FFFFFFF  }
0x99: {  	s20 =	sld [smem:$0x3FDB];
	_ =	sdelay $0x1  }
0x9a: {  	s5 =	simm.s32 $_scs_section_size  }
0x9b: {  	s6 =	simm.s32 $_size__tile_overlayer_lowered;
	s7 =	simm.s32 $_tile_overlayer_lowered  }
0x9c: {  	s23 =	simm.s32 $0x1BFF;
	s22 =	sshll.u32 s7, $0x1;
	s4 =	sadd.s32 s5, s20  }
0x9d: {  	s8 =	simm.s32 $0x0;
	s21 =	sshll.u32 s6, $0x1;
	s6 =	sadd.s32 s22, s4  }
0x9e: {  	[timem:s8], [sflag:s23] =	dma.local [hbm:s6], s21  }
0x9f: {  	_ =	swait.ge [sflag:s23], s21  }
0xa0: {  	s5 =	ssub.s32 $0x0, s21;
	[sflag:s23] =	ssyncset.done $0x0  }
0xa1: {  	[sflag:s23] =	ssyncadd.s32 s5;
	_ =	sdelay $0x1  }
0xa2: {  	s24 =	simm.s32 $0x1B8B  }
0xa3: {  	_ =	swait.ge [sflag:s24], $0x1  }
0xa4: {  	[sflag:s24] =	ssyncset.done $0x0  }
0xa5: {  	s25 =	simm.s32 $0x1B8E;
	[sflag:s24] =	ssyncadd.s32 $0xFFFFFFFF  }
0xa6: {  	s26 =	simm.s32 $execute0_lowered;
	[smem:$0x3FD2] =	sst s25  }
0xa7: {  	s5 =	sshll.u32 s26, $0x1;
	_ =	strace $0x80000046;
	[dreg:$0x1] =	wrdreg $0xFFFFFFFF  }
0xa8: {  	s28 =	simm.s32 $_size_execute0_lowered;
	s4 =	sadd.s32 s4, s5;
	[dreg:$0x0] =	wrdreg $0x0  }
0xa9: {  	s5 =	sshll.u32 s28, $0x1;
	[dreg:$0x2] =	wrdreg s4  }
0xaa: {  	[dreg:$0x3] =	wrdreg s5  }
0xab: {  	[dreg:$0x4] =	wrdreg $0xC0  }
0xac: {  	_ =	task [dreg:s8], $0x5FFFF  }
0xad: {  	[dreg:$0x1] =	wrdreg $0xFFFFFFFF  }
0xae: {  	[dreg:$0x0] =	wrdreg $0x60  }
0xaf: {  	[dreg:$0x2] =	wrdreg s2  }
0xb0: {  	[dreg:$0x3] =	wrdreg s19  }
0xb1: {  	[dreg:$0x4] =	wrdreg $0x9  }
0xb2: {  	_ =	task.clear_ibuf [dreg:s8], $0x5FFFF;
	_ =	strace $0x90000046  }
0xb3: {  	s29 =	simm.s32 $0x9;
	_ =	strace $0x80000048  }
0xb4: {  	_ =	swait.ge [sflag:s29], $0x1  }
0xb5: {  	[sflag:s29] =	ssyncadd.s32 $0xFFFFFFFF  }
0xb6: {  	_ =	strace $0x90000048  }
0xb7: {  	_ =	sfence  }
0xb8: {  	s30 =	sld [smem:$0x0];
	_ =	sdelay $0x2  }
0xb9: {  	s31 =	sshll.u32 s1, $0xD;
	s1 =	sshrl.u32 s1, $0x2  }
0xba: {  	s3 =	sand.u32 $0x4000, s31;
	s1 =	sadd.s32 s1, s30  }
0xbb: {  	s0 =	sor.u32 s3, s0;
	s1 =	sshll.u32 s1, $0x11  }
0xbc: {  	s0 =	sor.u32 s1, s0  }
0xbd: {  	s0 =	sadd.s32 $0x8F2B, s0  }
0xbe: {  	[sflag:s0] =	ssyncadd.remote.s32 $0x1  }
0xbf: {  	_ =	sfence.sel $0xFFFF  }
0xc0: {  	[dreg:$0x0] =	wrdreg $0xFFFFFFFF;
	(pc) =	sbr.abs _section_cstart, $3  }
0xc1: {  	[dreg:$0x1] =	wrdreg $0xFFFFFFFF  }
0xc2: {  	_ =	task.clear_ibuf [dreg:s8], $0x2FFFF;
	_ =	strace $0x9FFFFFFF  }
0xc3: {  	(tm) =	ssettm $0x7FFFFFFF  }
tec
execute0_lowered:
.L_overlay_start_1:
0x0: {  	(tag) =	ssettag $0x1  }
0x1: {  	v0 =	vimm.f32 $1.000000000e+09;
	vm0 =	vcmask $0x704;
	v4 =	vimm.f32 $0.0e+00  }
0x2: {  	vm1 =	vcmask $0x300;
	vm2 =	vcmask $0xF0C;
	vm3 =	vcmask $0x1714  }
0x3: {  	vm4 =	vcmask $0x231C;
	v5 =	vimm.f32 $1.000000000e+00;
	vm5 =	vcmask $0x2B28  }
0x4: {  	vm6 =	vcmask $0xB08;
	vm7 =	vcmask $0x3330;
	vm8 =	vcmask $0x1F1C  }
0x5: {  	vm9 =	vcmask $0x3B38;
	vm10 =	vcmask $0x2724;
	vm15 =	vcmask $0x332C  }
0x6: {  	v11 =	vimm.s32 $0x3;
	v12 =	vimm.s32 $0x4;
	v13 =	vimm.s32 $0x5  }
0x7: {  	v14 =	vimm.s32 $0x6;
	v16 =	vimm.s32 $0xEFCDAB89;
	v17 =	vimm.s32 $0x67452301  }
0x8: {  	v15 =	vimm.s32 $0x7;
	v20 =	vimm.s32 $0xDCFE98BA;
	v25 =	vimm.s32 $0x32107654  }
0x9: {  	v26 =	vimm.s32 $0xFEDCBA98;
	v1 =	vsel vm0, $0x3F800000, v4;
	v0 =	vsel vm1, $0x0, v0  }
0xa: {  	v6 =	vsel vm1, $0x0, v5;
	v5 =	vsel vm0, $0x0, v5;
	v4 =	vsel vm1, $0x3F800000, v4  }
0xb: {  	v18 =	vunpack.c.l.s4.s8 v16;
	v19 =	vunpack.c.l.s4.s8 v17;
	v16 =	vimm.s32 $0x8  }
0xc: {  	v17 =	vimm.s32 $0x9;
	v23 =	vunpack.c.l.s4.s8 v20;
	v20 =	vimm.s32 $0xC  }
0xd: {  	v25 =	vunpack.c.l.s4.s8 v25;
	v26 =	vunpack.c.l.s4.s8 v26;
	v2 =	vsel vm2, $0x3F800000, v1  }
0xe: {  	v1 =	vimm.s32 $0x0;
	v6 =	vsel vm6, $0x0, v6;
	v5 =	vsel vm2, $0x0, v5  }
0xf: {  	v4 =	vsel vm6, $0x3F800000, v4;
	v3 =	vsel vm3, $0x3F800000, v2;
	v2 =	vimm.s32 $0x1  }
0x10: {  	v6 =	vsel vm3, $0x0, v6;
	v5 =	vsel vm3, $0x0, v5;
	v7 =	vsel vm3, $0x3F800000, v4  }
0x11: {  	s4 =	rddreg [dreg:$0x0];
	v4 =	vlaneseq.u32;
	v21 =	vunpack.c.0.s8.s32 v18;
	v22 =	vunpack.c.0.s8.s32 v19  }
0x12: {  	s6 =	rddreg [dreg:$0x1];
	v18 =	vimm.s32 $0xA;
	v19 =	vimm.s32 $0xB;
	v25 =	vunpack.c.0.s8.s32 v25  }
0x13: {  	s0 =	rddreg [dreg:$0x2];
	v26 =	vunpack.c.0.s8.s32 v26;
	v3 =	vsel vm4, $0x3F800000, v3;
	v6 =	vsel vm8, $0x0, v6  }
0x14: {  	s3 =	srdreg.scid;
	s1 =	stileid.u32;
	v5 =	vsel vm4, $0x0, v5;
	v7 =	vsel vm8, $0x3F800000, v7;
	v8 =	vand.u32 $0x7, v4  }
0x15: {  	s2 =	simm.s32 $0x0;
	s11 =	simm.s32 $0x800;
	s12 =	simm.s32 $0x9000;
	v3 =	vsel vm5, $0x3F800000, v3;
	v6 =	vsel vm10, $0x0, v6;
	v5 =	vsel vm5, $0x0, v5  }
0x16: {  	s13 =	simm.s32 $0x11000;
	s14 =	simm.s32 $0x11400;
	s5 =	sshll.u32 s1, $0x9;
	v10 =	vsel vm10, $0x3F800000, v7;
	v24 =	vcombine.low v22, v21;
	v22 =	vunpack.c.0.s8.s32 v23  }
0x17: {  	s15 =	simm.s32 $0x0;
	s3 =	sand.u32 $0x1, s3;
	s8 =	sshrl.u32 s1, $0x1;
	v21 =	vimm.s32 $0x54761032;
	v23 =	vimm.s32 $0xBA98FEDC;
	v30 =	vand.u32 $0xF, v26  }
0x18: {  	[smem:$0x7FF] =	sst s2;
	s7 =	sshll.u32 s3, $0x8;
	s5 =	sand.u32 $0x200, s5;
	v3 =	vsel vm7, $0x3F800000, v3;
	v6 =	vsel vm15, $0x0, v6;
	v9 =	vsel vm7, $0x0, v5  }
0x19: {  	s3 =	ssub.s32 $0x2, s3;
	s29 =	sshll.u32 s8, $0xE;
	_ =	strace $0x80000047;
	v5 =	vmul.u32 $0x2, v8;
	v8 =	vsel vm15, $0x3F800000, v10;
	v21 =	vunpack.c.l.s4.s8 v21  }
0x1a: {  	s8 =	sshll.u32 s8, $0xD;
	s5 =	sor.u32 s7, s5;
	s9 =	sshrl.u32 s3, $0x1;
	v10 =	vimm.s32 $0x2;
	v23 =	vunpack.c.l.s4.s8 v23;
	v3 =	vsel vm9, $0x3F800000, v3  }
0x1b: {  	s10 =	sor.u32 s29, s5;
	s9 =	ssub.s32 s3, s9;
	s31 =	sor.u32 $0x80, s5;
	v6 =	vsel vm9, $0x0, v6;
	v27 =	vunpack.c.0.s8.s32 v21;
	v21 =	vimm.s32 $0x76543210  }
0x1c: {  	s5 =	sor.u32 s8, s5;
	s30 =	sshrl.u32 s10, $0x3;
	s7 =	sor.u32 s29, s31;
	v7 =	vsel vm9, $0x0, v9;
	v23 =	vunpack.c.0.s8.s32 v23;
	v28 =	vunpack.c.l.s4.s8 v21  }
0x1d: {  	s8 =	sor.u32 s8, s31;
	s5 =	sshrl.u32 s5, $0x3;
	s10 =	simm.s32 $0x1;
	v8 =	vsel vm9, $0x3F800000, v8;
	v24 =	vand.u32 $0xF, v24;
	v9 =	vor.u32 $0x1, v5  }
0x1e: {  	s3 =	sadd.s32 s4, s30;
	s7 =	sshrl.u32 s7, $0x3;
	s8 =	sshrl.u32 s8, $0x3;
	v27 =	vcombine.low v27, v22;
	v29 =	vcombine.low v25, v23;
	v28 =	vunpack.c.0.s8.s32 v28  }
0x1f: {  	s5 =	sadd.s32 s6, s5;
	s4 =	sadd.s32 s4, s7;
	s6 =	sadd.s32 s6, s8;
	v21 =	vimm.s32 $0xD;
	v22 =	vimm.s32 $0xE;
	v23 =	vimm.s32 $0xF  }
0x20: {  	s7 =	smax.u32 s9, $0x1;
	s8 =	simm.s32 $0x80;
	s9 =	simm.s32 $0x400;
	v25 =	vand.u32 $0xF, v27;
	v26 =	vand.u32 $0xF, v29;
	v27 =	vcombine.low v30, v28  }
.LBB2_1:
0x21: {  	[tilespmem:s2], [sflag:$0x1] =	stream.strided.gather [hbm4b:s3+s8], $0x800, s9, s8, $0x38;
	[tilespmem:$0x11800] =	vst v63  }
0x22: {  	_ =	swait.ge [sflag:s10], $0x800  }
0x23: {  	[sflag:s10] =	ssyncset.done $0x0  }
0x24: {  	[sflag:s10] =	ssyncadd.s32 $0xFFFFF800  }
0x25: {  	[tilespmem:s11], [sflag:$0x1] =	stream.strided.gather [hbm4b:s4+s8], $0x800, s9, s8, $0x38;
	[tilespmem:$0x11800] =	vst v63  }
0x26: {  	_ =	swait.ge [sflag:s10], $0x800  }
0x27: {  	s16 =	simm.s32 $0xFFFFFFFE;
	s17 =	simm.s32 $0x50F0;
	[sflag:s10] =	ssyncset.done $0x0  }
0x28: {  	s18 =	simm.s32 $0x10;
	s19 =	simm.s32 $0x0;
	v28 =	vmov v0;
	v29 =	vmov v0;
	[sflag:s10] =	ssyncadd.s32 $0xFFFFF800  }
.LBB2_2:
0x29: {  	v30 =	vld [tilespmem:s18+$0xFFFFFFF0];
	_ =	sdelay $0x4  }
0x2a: {  	v31 =	vshrl.u32 v30, $0x10  }
0x2b: {  	v31 =	vand.u32 $0x1, v31  }
0x2c: {  	v30 =	vadd.s32 v31, v30  }
0x2d: {  	v30 =	vadd.s32 $0x7FFF, v30  }
0x2e: {  	v30 =	vand.u32 $0xFFFF0000, v30  }
0x2f: {  	v31 =	vperm.xlane v30, v1;
	v32 =	vperm.xlane v30, v2  }
0x30: {  	v41 =	vperm.xlane v29, v5;
	v29 =	vperm.xlane v29, v9  }
0x31: {  	v33 =	vmul.f32 v3, v31;
	v34 =	vmul.f32 v6, v32  }
0x32: {  	v31 =	vmul.f32 v7, v31;
	v32 =	vmul.f32 v8, v32  }
0x33: {  	v42 =	vperm.xlane v30, v10;
	v35 =	vperm.xlane v30, v11  }
0x34: {  	v46 =	vperm.xlane v30, v12;
	v33 =	vadd.f32 v34, v33;
	v31 =	vadd.f32 v32, v31  }
0x35: {  	v43 =	vmul.f32 v6, v35;
	v35 =	vmul.f32 v8, v35  }
0x36: {  	v32 =	vmul.f32 v7, v42;
	v33 =	vadd.f32 v33, v41;
	v29 =	vadd.f32 v31, v29  }
0x37: {  	v37 =	vperm.xlane v30, v13;
	v31 =	vmul.f32 v3, v42  }
0x38: {  	v50 =	vperm.xlane v30, v14;
	v32 =	vadd.f32 v35, v32;
	v36 =	vmin.f32 v33, v29  }
0x39: {  	v31 =	vadd.f32 v43, v31;
	v44 =	vperm.xlane v36, v5;
	v45 =	vperm.xlane v36, v9  }
0x3a: {  	v39 =	vperm.xlane v30, v15;
	v47 =	vmul.f32 v3, v46  }
0x3b: {  	v48 =	vmul.f32 v6, v37;
	v31 =	vadd.f32 v31, v44;
	v32 =	vadd.f32 v32, v45  }
0x3c: {  	v37 =	vmul.f32 v8, v37;
	v36 =	vmul.f32 v7, v46  }
0x3d: {  	v55 =	vperm.xlane v30, v16;
	v34 =	vadd.f32 v48, v47;
	v38 =	vmin.f32 v31, v32  }
0x3e: {  	v36 =	vadd.f32 v37, v36;
	v49 =	vperm.xlane v38, v5;
	v38 =	vperm.xlane v38, v9  }
0x3f: {  	v52 =	vmul.f32 v6, v39;
	v39 =	vmul.f32 v8, v39  }
0x40: {  	v37 =	vmul.f32 v7, v50;
	v34 =	vadd.f32 v34, v49;
	v35 =	vadd.f32 v36, v38  }
0x41: {  	v59 =	vperm.xlane v30, v18;
	v51 =	vmul.f32 v3, v50  }
0x42: {  	v41 =	vperm.xlane v30, v17;
	v37 =	vadd.f32 v39, v37;
	v40 =	vmin.f32 v34, v35  }
0x43: {  	v36 =	vadd.f32 v52, v51;
	v53 =	vperm.xlane v40, v5;
	v54 =	vperm.xlane v40, v9  }
0x44: {  	v56 =	vmul.f32 v3, v55;
	v60 =	vmul.f32 v3, v59  }
0x45: {  	v57 =	vmul.f32 v6, v41;
	v36 =	vadd.f32 v36, v53;
	v37 =	vadd.f32 v37, v54  }
0x46: {  	v41 =	vmul.f32 v8, v41;
	v40 =	vmul.f32 v7, v55  }
0x47: {  	v43 =	vperm.xlane v30, v19;
	v38 =	vadd.f32 v57, v56;
	v42 =	vmin.f32 v36, v37  }
0x48: {  	v40 =	vadd.f32 v41, v40;
	v58 =	vperm.xlane v42, v5;
	v42 =	vperm.xlane v42, v9  }
0x49: {  	v61 =	vmul.f32 v6, v43;
	v43 =	vmul.f32 v8, v43  }
0x4a: {  	v50 =	vperm.xlane v30, v20;
	v38 =	vadd.f32 v38, v58;
	v39 =	vadd.f32 v40, v42  }
0x4b: {  	vm0 =	vlt.f32 v29, v33;
	v44 =	vperm.xlane v30, v21;
	v41 =	vmul.f32 v7, v59  }
0x4c: {  	v62 =	vadd.f32 v61, v60;
	v51 =	vmul.f32 v3, v50;
	v29 =	vmin.f32 v38, v39  }
0x4d: {  	v63 =	vadd.f32 v43, v41;
	v48 =	vperm.xlane v29, v5;
	v29 =	vperm.xlane v29, v9  }
0x4e: {  	vm10 =	vlt.f32 v32, v31;
	v52 =	vmul.f32 v6, v44;
	v57 =	vperm.xlane v30, v22  }
0x4f: {  	v30 =	vperm.xlane v30, v23;
	v31 =	vadd.f32 v62, v48;
	v29 =	vadd.f32 v63, v29  }
0x50: {  	v49 =	vsel vm0, v9, v5;
	v55 =	vmul.f32 v8, v44;
	v54 =	vmul.f32 v7, v50  }
0x51: {  	vm1 =	vlt.f32 v35, v34;
	v32 =	vadd.f32 v52, v51;
	v53 =	vmin.f32 v31, v29  }
0x52: {  	v35 =	vadd.f32 v55, v54;
	v56 =	vperm.xlane v53, v5;
	v34 =	vperm.xlane v53, v9  }
0x53: {  	vm11 =	vlt.f32 v37, v36;
	v62 =	vmul.f32 v6, v30;
	v63 =	vmul.f32 v7, v57  }
0x54: {  	v30 =	vmul.f32 v8, v30;
	v32 =	vadd.f32 v32, v56;
	v60 =	vadd.f32 v35, v34  }
0x55: {  	v61 =	vmul.f32 v3, v57;
	v59 =	vsel vm1, v9, v5;
	v44 =	vsel vm11, v9, v5  }
0x56: {  	[tilespmem:s17+$0xFFFFBF10] =	vst v49;
	vm12 =	vlt.f32 v39, v38;
	v30 =	vadd.f32 v30, v63;
	v40 =	vmin.f32 v32, v60  }
0x57: {  	[tilespmem:s17+$0xFFFFBF30] =	vst v59;
	v34 =	vadd.f32 v62, v61;
	v41 =	vperm.xlane v40, v5;
	v42 =	vperm.xlane v40, v9  }
0x58: {  	[tilespmem:s17+$0xFFFFBF40] =	vst v44;
	v58 =	vsel vm10, v9, v5;
	v38 =	vsel vm12, v9, v5  }
0x59: {  	[tilespmem:s17+$0xFFFFBF20] =	vst v58;
	vm13 =	vlt.f32 v29, v31;
	v37 =	vadd.f32 v34, v41;
	v39 =	vadd.f32 v30, v42  }
0x5a: {  	[tilespmem:s17+$0xFFFFBF50] =	vst v38;
	v29 =	vsel vm13, v9, v5;
	vm14 =	vlt.f32 v60, v32  }
0x5b: {  	[tilespmem:s17+$0xFFFFBF60] =	vst v29;
	v29 =	vsel vm14, v9, v5;
	vm15 =	vlt.f32 v39, v37  }
0x5c: {  	[tilespmem:s17+$0xFFFFBF70] =	vst v29;
	v29 =	vsel vm15, v9, v5  }
0x5d: {  	s20 =	sand.u32 $0x7E0, s19;
	[tilespmem:s17+$0xFFFFBF80] =	vst v29  }
0x5e: {  	v29 =	vld [tilespmem:s20+$0x800];
	_ =	sdelay $0x4  }
0x5f: {  	v30 =	vshrl.u32 v29, $0x10  }
0x60: {  	v30 =	vand.u32 $0x1, v30  }
0x61: {  	v29 =	vadd.s32 v30, v29  }
0x62: {  	v29 =	vadd.s32 $0x7FFF, v29  }
0x63: {  	v47 =	vperm.xlane v28, v9;
	v34 =	vand.u32 $0xFFFF0000, v29  }
0x64: {  	v46 =	vperm.xlane v28, v5;
	v29 =	vperm.xlane v34, v1  }
0x65: {  	v30 =	vperm.xlane v34, v2;
	v48 =	vperm.xlane v34, v11  }
0x66: {  	v54 =	vperm.xlane v34, v12;
	v55 =	vperm.xlane v34, v13  }
0x67: {  	v61 =	vperm.xlane v34, v14;
	v62 =	vperm.xlane v34, v15  }
0x68: {  	v31 =	vmul.f32 v3, v29;
	v45 =	vmul.f32 v6, v30  }
0x69: {  	v29 =	vmul.f32 v7, v29;
	v30 =	vmul.f32 v8, v30  }
0x6a: {  	v49 =	vmul.f32 v6, v48;
	v50 =	vmul.f32 v8, v48  }
0x6b: {  	v31 =	vadd.f32 v45, v31;
	v29 =	vadd.f32 v30, v29;
	v30 =	vperm.xlane v34, v10  }
0x6c: {  	v56 =	vmul.f32 v3, v54;
	v57 =	vmul.f32 v6, v55  }
0x6d: {  	v28 =	vadd.f32 v31, v46;
	v29 =	vadd.f32 v29, v47;
	v31 =	vmul.f32 v3, v30  }
0x6e: {  	v37 =	vmin.f32 v37, v39;
	v35 =	vmul.f32 v7, v54;
	v30 =	vmul.f32 v7, v30  }
0x6f: {  	v36 =	vmul.f32 v8, v55;
	v51 =	vmin.f32 v28, v29;
	v31 =	vadd.f32 v49, v31  }
0x70: {  	v59 =	vld [tilespmem:s18+$0x0];
	v52 =	vadd.f32 v50, v30;
	v30 =	vperm.xlane v51, v5;
	v53 =	vperm.xlane v51, v9  }
0x71: {  	v63 =	vmul.f32 v3, v61;
	v41 =	vmul.f32 v8, v62;
	v32 =	vadd.f32 v57, v56  }
0x72: {  	v45 =	vmul.f32 v6, v62;
	v30 =	vadd.f32 v31, v30;
	v31 =	vadd.f32 v52, v53  }
0x73: {  	v35 =	vadd.f32 v36, v35;
	v36 =	vmul.f32 v7, v61;
	v57 =	vperm.xlane v37, v5  }
0x74: {  	v37 =	vperm.xlane v37, v9;
	v49 =	vperm.xlane v34, v16;
	v58 =	vmin.f32 v30, v31  }
0x75: {  	v46 =	vshrl.u32 v59, $0x10;
	v60 =	vperm.xlane v58, v5;
	v38 =	vperm.xlane v58, v9  }
0x76: {  	v36 =	vadd.f32 v41, v36;
	v48 =	vand.u32 $0x1, v46;
	v52 =	vperm.xlane v34, v17  }
0x77: {  	v41 =	vmul.f32 v7, v49;
	v32 =	vadd.f32 v32, v60;
	v33 =	vadd.f32 v35, v38  }
0x78: {  	v53 =	vmul.f32 v3, v49;
	v55 =	vmul.f32 v6, v52;
	v38 =	vadd.s32 v48, v59  }
0x79: {  	v43 =	vmul.f32 v8, v52;
	v38 =	vadd.s32 $0x7FFF, v38;
	v47 =	vmin.f32 v32, v33  }
0x7a: {  	v38 =	vand.u32 $0xFFFF0000, v38;
	v50 =	vperm.xlane v47, v5;
	v51 =	vperm.xlane v47, v9  }
0x7b: {  	v35 =	vadd.f32 v45, v63;
	v54 =	vperm.xlane v38, v1;
	v45 =	vperm.xlane v38, v2  }
0x7c: {  	v58 =	vperm.xlane v38, v10;
	v48 =	vperm.xlane v38, v11  }
0x7d: {  	v42 =	vadd.f32 v55, v53;
	v55 =	vperm.xlane v38, v12;
	v56 =	vmul.f32 v3, v54  }
0x7e: {  	v46 =	vmul.f32 v6, v45;
	v40 =	vmul.f32 v7, v54  }
0x7f: {  	v45 =	vmul.f32 v8, v45;
	v59 =	vmul.f32 v3, v58  }
0x80: {  	v35 =	vadd.f32 v35, v50;
	v60 =	vmul.f32 v6, v48;
	v61 =	vmul.f32 v7, v58  }
0x81: {  	v36 =	vadd.f32 v36, v51;
	v62 =	vmul.f32 v8, v48;
	v50 =	vperm.xlane v34, v18  }
0x82: {  	v41 =	vadd.f32 v43, v41;
	v43 =	vmul.f32 v7, v55;
	v51 =	vperm.xlane v38, v15  }
0x83: {  	v47 =	vmin.f32 v35, v36;
	v39 =	vadd.f32 v46, v56;
	v40 =	vadd.f32 v45, v40  }
0x84: {  	v52 =	vadd.f32 v62, v61;
	v56 =	vperm.xlane v38, v13;
	v61 =	vperm.xlane v38, v14  }
0x85: {  	v49 =	vperm.xlane v47, v5;
	v46 =	vadd.f32 v39, v57;
	v37 =	vadd.f32 v40, v37  }
0x86: {  	v47 =	vperm.xlane v47, v9;
	v57 =	vmul.f32 v3, v55  }
0x87: {  	v58 =	vmul.f32 v6, v56;
	v48 =	vmul.f32 v8, v56;
	v63 =	vmin.f32 v46, v37  }
0x88: {  	v39 =	vadd.f32 v60, v59;
	v53 =	vperm.xlane v63, v5;
	v54 =	vperm.xlane v63, v9  }
0x89: {  	v62 =	vmul.f32 v3, v61;
	v55 =	vmul.f32 v8, v51;
	v40 =	vadd.f32 v58, v57  }
0x8a: {  	v63 =	vmul.f32 v7, v61;
	v44 =	vadd.f32 v39, v53;
	v45 =	vadd.f32 v52, v54  }
0x8b: {  	v43 =	vadd.f32 v48, v43;
	v52 =	vperm.xlane v34, v19;
	v53 =	vmul.f32 v3, v50  }
0x8c: {  	v54 =	vmul.f32 v6, v51;
	v50 =	vmul.f32 v7, v50;
	v59 =	vmin.f32 v44, v45  }
0x8d: {  	v39 =	vadd.f32 v42, v49;
	v60 =	vperm.xlane v59, v5;
	v49 =	vperm.xlane v59, v9  }
0x8e: {  	v56 =	vmul.f32 v6, v52;
	v52 =	vmul.f32 v8, v52  }
0x8f: {  	v59 =	vperm.xlane v38, v16;
	v42 =	vadd.f32 v40, v60;
	v43 =	vadd.f32 v43, v49  }
0x90: {  	vm5 =	vlt.f32 v45, v44;
	v40 =	vadd.f32 v41, v47;
	v49 =	vadd.f32 v54, v62  }
0x91: {  	v41 =	vadd.f32 v55, v63;
	v60 =	vperm.xlane v38, v17;
	v61 =	vmul.f32 v3, v59  }
0x92: {  	v63 =	vmul.f32 v7, v59;
	v59 =	vperm.xlane v38, v19;
	v54 =	vsel vm5, v9, v5  }
0x93: {  	v55 =	vperm.xlane v38, v22;
	[tilespmem:s17+$0xFFFFBFA0] =	vst v54;
	v54 =	vperm.xlane v34, v21;
	v57 =	vmin.f32 v42, v43  }
0x94: {  	vm4 =	vlt.f32 v37, v46;
	v58 =	vperm.xlane v57, v5;
	v51 =	vperm.xlane v57, v9  }
0x95: {  	v48 =	vadd.f32 v56, v53;
	v62 =	vmul.f32 v6, v60;
	v56 =	vmul.f32 v8, v60  }
0x96: {  	vm6 =	vlt.f32 v43, v42;
	v47 =	vadd.f32 v49, v58;
	v41 =	vadd.f32 v41, v51  }
0x97: {  	v53 =	vsel vm6, v9, v5;
	v37 =	vadd.f32 v62, v61;
	v61 =	vmul.f32 v6, v59  }
0x98: {  	[tilespmem:s17+$0xFFFFBFB0] =	vst v53;
	v53 =	vperm.xlane v34, v20;
	v58 =	vperm.xlane v38, v18;
	v49 =	vmin.f32 v47, v41  }
0x99: {  	v51 =	vadd.f32 v56, v63;
	v57 =	vperm.xlane v49, v5;
	v49 =	vperm.xlane v49, v9  }
0x9a: {  	v63 =	vmul.f32 v8, v59;
	v59 =	vperm.xlane v38, v20  }
0x9b: {  	v60 =	vmul.f32 v3, v58;
	v37 =	vadd.f32 v37, v57;
	v44 =	vadd.f32 v51, v49  }
0x9c: {  	v56 =	vmul.f32 v3, v55;
	v62 =	vmul.f32 v7, v58  }
0x9d: {  	v45 =	vadd.f32 v61, v60;
	v60 =	vperm.xlane v38, v21;
	v57 =	vmin.f32 v37, v44  }
0x9e: {  	v51 =	vadd.f32 v63, v62;
	v58 =	vperm.xlane v57, v5;
	v46 =	vperm.xlane v57, v9  }
0x9f: {  	vm7 =	vlt.f32 v41, v47;
	v61 =	vmul.f32 v3, v59;
	v38 =	vperm.xlane v38, v23  }
0xa0: {  	v62 =	vmul.f32 v6, v60;
	v45 =	vadd.f32 v45, v58;
	v46 =	vadd.f32 v51, v46  }
0xa1: {  	v42 =	vmul.f32 v7, v59;
	v49 =	vsel vm4, v9, v5;
	v43 =	vmul.f32 v8, v60  }
0xa2: {  	v41 =	vadd.f32 v62, v61;
	v57 =	vmul.f32 v6, v38;
	v51 =	vmin.f32 v45, v46  }
0xa3: {  	v42 =	vadd.f32 v43, v42;
	v63 =	vperm.xlane v51, v5;
	v51 =	vperm.xlane v51, v9  }
0xa4: {  	vm8 =	vlt.f32 v44, v37;
	v43 =	vmul.f32 v7, v55;
	v38 =	vmul.f32 v8, v38  }
0xa5: {  	v62 =	vsel vm7, v9, v5;
	v41 =	vadd.f32 v41, v63;
	v42 =	vadd.f32 v42, v51  }
0xa6: {  	v44 =	vadd.f32 v52, v50;
	[tilespmem:s17+$0xFFFFBFC0] =	vst v62;
	v62 =	vperm.xlane v34, v22;
	v34 =	vperm.xlane v34, v23  }
0xa7: {  	v58 =	vmin.f32 v39, v40;
	v37 =	vadd.f32 v57, v56;
	v60 =	vmin.f32 v41, v42  }
0xa8: {  	v38 =	vadd.f32 v38, v43;
	v61 =	vperm.xlane v60, v5;
	v47 =	vperm.xlane v60, v9  }
0xa9: {  	v56 =	vmul.f32 v3, v53;
	v59 =	vperm.xlane v58, v5;
	vm9 =	vlt.f32 v46, v45  }
0xaa: {  	[tilespmem:s17+$0xFFFFBF90] =	vst v49;
	v45 =	vsel vm9, v9, v5;
	v37 =	vadd.f32 v37, v61;
	v38 =	vadd.f32 v38, v47  }
0xab: {  	v50 =	vperm.xlane v58, v9;
	[tilespmem:s17+$0xFFFFBFE0] =	vst v45;
	v63 =	vsel vm8, v9, v5;
	vm10 =	vlt.f32 v42, v41  }
0xac: {  	v57 =	vmul.f32 v6, v54;
	[tilespmem:s17+$0xFFFFBFD0] =	vst v63;
	v42 =	vsel vm10, v9, v5;
	vm11 =	vlt.f32 v38, v37  }
0xad: {  	s31 =	sadd.s32 $0x10, s19;
	v44 =	vadd.f32 v44, v50;
	v45 =	vadd.f32 v48, v59;
	[tilespmem:s17+$0xFFFFBFF0] =	vst v42;
	v55 =	vsel vm11, v9, v5  }
0xae: {  	s20 =	sand.u32 $0x7F0, s31;
	v58 =	vmul.f32 v7, v53;
	v41 =	vmul.f32 v8, v54;
	[tilespmem:s17+$0xFFFFC000] =	vst v55  }
0xaf: {  	v52 =	vmul.f32 v6, v34;
	v46 =	vadd.f32 v57, v56;
	v48 =	vmin.f32 v45, v44;
	v59 =	vld [tilespmem:s20+$0x800]  }
0xb0: {  	v60 =	vperm.xlane v48, v5;
	v41 =	vadd.f32 v41, v58;
	v61 =	vperm.xlane v48, v9  }
0xb1: {  	v34 =	vmul.f32 v8, v34;
	v63 =	vmul.f32 v3, v62  }
0xb2: {  	v42 =	vadd.f32 v46, v60;
	v48 =	vmul.f32 v7, v62;
	v41 =	vadd.f32 v41, v61  }
0xb3: {  	v46 =	vadd.f32 v52, v63  }
0xb4: {  	v34 =	vadd.f32 v34, v48;
	v54 =	vmin.f32 v42, v41;
	v53 =	vshrl.u32 v59, $0x10  }
0xb5: {  	v55 =	vperm.xlane v54, v5;
	v56 =	vperm.xlane v54, v9;
	v49 =	vand.u32 $0x1, v53  }
0xb6: {  	vm12 =	vlt.f32 v29, v28;
	v43 =	vadd.s32 v49, v59  }
0xb7: {  	v46 =	vadd.f32 v46, v55;
	v34 =	vadd.f32 v34, v56;
	v43 =	vadd.s32 $0x7FFF, v43  }
0xb8: {  	vm13 =	vlt.f32 v31, v30;
	vm14 =	vlt.f32 v33, v32;
	v43 =	vand.u32 $0xFFFF0000, v43  }
0xb9: {  	v61 =	vmin.f32 v46, v34;
	v57 =	vperm.xlane v43, v1;
	v58 =	vperm.xlane v43, v2  }
0xba: {  	vm15 =	vlt.f32 v36, v35;
	v62 =	vperm.xlane v61, v5;
	v63 =	vperm.xlane v43, v10  }
0xbb: {  	vm4 =	vlt.f32 v40, v39;
	v59 =	vmul.f32 v3, v57;
	v60 =	vmul.f32 v6, v58  }
0xbc: {  	vm5 =	vlt.f32 v44, v45;
	v49 =	vmul.f32 v7, v57;
	v50 =	vmul.f32 v8, v58  }
0xbd: {  	v52 =	vsel vm15, v9, v5;
	v51 =	vperm.xlane v61, v9;
	v56 =	vperm.xlane v43, v11  }
0xbe: {  	v57 =	vmul.f32 v3, v63;
	v47 =	vadd.f32 v60, v59;
	v49 =	vadd.f32 v50, v49  }
0xbf: {  	v48 =	vsel vm5, v9, v5;
	v58 =	vmul.f32 v6, v56;
	v50 =	vmul.f32 v7, v63  }
0xc0: {  	v63 =	vperm.xlane v43, v13;
	v28 =	vadd.f32 v47, v62;
	v29 =	vadd.f32 v49, v51  }
0xc1: {  	vm6 =	vlt.f32 v41, v42;
	v59 =	vmul.f32 v8, v56;
	v31 =	vadd.f32 v58, v57  }
0xc2: {  	v62 =	vperm.xlane v43, v12;
	v56 =	vmul.f32 v6, v63;
	v30 =	vmin.f32 v28, v29  }
0xc3: {  	v60 =	vadd.f32 v59, v50;
	v61 =	vperm.xlane v30, v5;
	v30 =	vperm.xlane v30, v9  }
0xc4: {  	vm7 =	vlt.f32 v34, v46;
	v55 =	vmul.f32 v3, v62;
	v58 =	vmul.f32 v7, v62  }
0xc5: {  	v62 =	vperm.xlane v43, v15;
	v31 =	vadd.f32 v31, v61;
	v30 =	vadd.f32 v60, v30  }
0xc6: {  	v49 =	vsel vm12, v9, v5;
	v59 =	vmul.f32 v8, v63;
	v32 =	vadd.f32 v56, v55  }
0xc7: {  	v53 =	vmul.f32 v6, v62;
	v61 =	vperm.xlane v43, v14;
	v57 =	vmin.f32 v31, v30  }
0xc8: {  	v36 =	vadd.f32 v59, v58;
	v60 =	vperm.xlane v57, v5;
	v35 =	vperm.xlane v57, v9  }
0xc9: {  	v50 =	vsel vm13, v9, v5;
	v55 =	vmul.f32 v8, v62;
	v63 =	vmul.f32 v3, v61  }
0xca: {  	v54 =	vmul.f32 v7, v61;
	v32 =	vadd.f32 v32, v60;
	v33 =	vadd.f32 v36, v35  }
0xcb: {  	v61 =	vperm.xlane v43, v17;
	vm9 =	vlt.f32 v30, v31;
	v30 =	vperm.xlane v43, v20  }
0xcc: {  	v57 =	vadd.f32 v55, v54;
	v60 =	vperm.xlane v43, v16;
	v56 =	vmin.f32 v32, v33  }
0xcd: {  	v35 =	vadd.f32 v53, v63;
	v58 =	vperm.xlane v56, v5;
	v59 =	vperm.xlane v56, v9  }
0xce: {  	v51 =	vsel vm14, v9, v5;
	v63 =	vmul.f32 v6, v61;
	v62 =	vmul.f32 v3, v60  }
0xcf: {  	v31 =	vperm.xlane v43, v21;
	v35 =	vadd.f32 v35, v58;
	v36 =	vadd.f32 v57, v59  }
0xd0: {  	v55 =	vmul.f32 v8, v61;
	v54 =	vmul.f32 v7, v60;
	v39 =	vadd.f32 v63, v62  }
0xd1: {  	v57 =	vperm.xlane v43, v18;
	v58 =	vperm.xlane v43, v19;
	v53 =	vmin.f32 v35, v36  }
0xd2: {  	v42 =	vadd.f32 v55, v54;
	v56 =	vperm.xlane v53, v5;
	v41 =	vperm.xlane v53, v9  }
0xd3: {  	[tilespmem:s17+$0xFFFFFF20] =	vst v50;
	vm8 =	vlt.f32 v29, v28;
	v50 =	vmul.f32 v3, v30;
	v28 =	vmul.f32 v7, v57  }
0xd4: {  	v29 =	vmul.f32 v8, v58;
	v39 =	vadd.f32 v39, v56;
	v60 =	vadd.f32 v42, v41  }
0xd5: {  	v47 =	vsel vm4, v9, v5;
	v61 =	vmul.f32 v3, v57;
	v62 =	vmul.f32 v6, v58  }
0xd6: {  	v30 =	vmul.f32 v7, v30;
	v28 =	vadd.f32 v29, v28;
	v46 =	vmin.f32 v39, v60  }
0xd7: {  	v41 =	vadd.f32 v62, v61;
	v29 =	vperm.xlane v46, v5;
	v42 =	vperm.xlane v46, v9  }
0xd8: {  	[tilespmem:s17+$0xFFFFFF10] =	vst v49;
	v49 =	vsel vm8, v9, v5;
	v53 =	vmul.f32 v6, v31;
	v31 =	vmul.f32 v8, v31  }
0xd9: {  	vm10 =	vlt.f32 v33, v32;
	v29 =	vadd.f32 v41, v29;
	v28 =	vadd.f32 v28, v42  }
0xda: {  	[tilespmem:s17+$0xFFFFFF40] =	vst v52;
	v63 =	vsel vm7, v9, v5;
	v55 =	vsel vm9, v9, v5;
	v30 =	vadd.f32 v31, v30  }
0xdb: {  	[tilespmem:s17+$0xFFFFFF60] =	vst v48;
	v31 =	vperm.xlane v43, v22;
	v43 =	vperm.xlane v43, v23;
	v42 =	vmin.f32 v29, v28  }
0xdc: {  	[tilespmem:s17+$0xFFFFFF30] =	vst v51;
	v32 =	vadd.f32 v53, v50;
	v54 =	vperm.xlane v42, v5;
	v42 =	vperm.xlane v42, v9  }
0xdd: {  	[tilespmem:s17+$0xFFFFFF50] =	vst v47;
	v59 =	vsel vm6, v9, v5;
	vm11 =	vlt.f32 v36, v35;
	v56 =	vmul.f32 v3, v31  }
0xde: {  	[tilespmem:s17+$0xFFFFFF90] =	vst v49;
	v57 =	vmul.f32 v6, v43;
	v32 =	vadd.f32 v32, v54;
	v30 =	vadd.f32 v30, v42  }
0xdf: {  	[tilespmem:s17+$0xFFFFFF70] =	vst v59;
	v58 =	vsel vm10, v9, v5;
	v31 =	vmul.f32 v7, v31;
	v59 =	vmul.f32 v8, v43  }
0xe0: {  	[tilespmem:s17+$0xFFFFFF80] =	vst v63;
	vm12 =	vlt.f32 v60, v39;
	v33 =	vadd.f32 v57, v56;
	v60 =	vmin.f32 v32, v30  }
0xe1: {  	s16 =	sadd.s32 $0x2, s16;
	[tilespmem:s17+$0xFFFFFFA0] =	vst v55;
	v31 =	vadd.f32 v59, v31;
	v61 =	vperm.xlane v60, v5;
	v34 =	vperm.xlane v60, v9  }
0xe2: {  	p0 =	slt.u32 s16, $0x7E;
	[tilespmem:s17+$0xFFFFFFB0] =	vst v58;
	v62 =	vsel vm11, v9, v5;
	v63 =	vsel vm12, v9, v5  }
.Ltmp0:
0xe3: {  	[tilespmem:s17+$0xFFFFFFC0] =	vst v62;
	vm13 =	vlt.f32 v28, v29;
	v28 =	vadd.f32 v33, v61;
	v31 =	vadd.f32 v31, v34;
	(pc) =	sbr.rel @p0 .LBB2_2-.Ltmp0, $4  }
0xe4: {  	[tilespmem:s17+$0xFFFFFFD0] =	vst v63;
	v29 =	vsel vm13, v9, v5;
	vm14 =	vlt.f32 v30, v32  }
0xe5: {  	[tilespmem:s17+$0xFFFFFFE0] =	vst v29;
	v29 =	vsel vm14, v9, v5;
	vm15 =	vlt.f32 v31, v28  }
0xe6: {  	[tilespmem:s17+$0xFFFFFFF0] =	vst v29;
	v29 =	vsel vm15, v9, v5  }
0xe7: {  	s19 =	sadd.s32 $0x20, s19;
	s18 =	sadd.s32 $0x20, s18;
	v28 =	vmin.f32 v28, v31;
	[tilespmem:s17+$0x0] =	vst v29;
	v29 =	vmin.f32 v37, v38;
	s17 =	sadd.s32 $0x100, s17  }
0xe8: {  	v30 =	vperm.xlane v29, v24  }
0xe9: {  	v31 =	vperm.xlane v28, v24  }
0xea: {  	v30 =	vmin.f32 v29, v30  }
0xeb: {  	v31 =	vmin.f32 v28, v31;
	v32 =	vperm.xlane v30, v25  }
0xec: {  	v55 =	vperm.xlane v31, v25  }
0xed: {  	v30 =	vmin.f32 v30, v32  }
0xee: {  	v31 =	vmin.f32 v31, v55;
	v33 =	vperm.xlane v30, v26  }
0xef: {  	v32 =	vperm.xlane v31, v26  }
0xf0: {  	v30 =	vmin.f32 v30, v33  }
0xf1: {  	v31 =	vmin.f32 v31, v32;
	v33 =	vperm.xlane v30, v27  }
0xf2: {  	v32 =	vperm.xlane v31, v27  }
0xf3: {  	v30 =	vmin.f32 v30, v33  }
0xf4: {  	v31 =	vmin.f32 v31, v32;
	vm0 =	veq.f32 v29, v30;
	v29 =	vlaneseq.u32  }
0xf5: {  	vm9 =	veq.f32 v28, v31;
	[tilespmem:$0xCFF0] =	vst v29  }
0xf6: {  	s16 =	simm.s32 $0x0;
	v30 =	vnsel vm0, $0x10, v29;
	[tilespmem:$0x10FF0] =	vst v29;
	v28 =	vnsel vm9, $0x10, v29  }
0xf7: {  	v56 =	vperm.xlane v30, v24;
	v31 =	vld [tilespmem:s16+$0x4FF0];
	v57 =	vperm.xlane v28, v24  }
0xf8: {  	v34 =	vld [tilespmem:s16+$0x8FF0]  }
0xf9: {  	v58 =	vld [tilespmem:s16+$0x4FE0];
	vm10 =	vlt.s32 v30, v56;
	vm11 =	vlt.s32 v28, v57  }
0xfa: {  	v36 =	vld [tilespmem:s16+$0x8FE0];
	v30 =	vsel vm10, v30, v56;
	v28 =	vsel vm11, v28, v57  }
0xfb: {  	v59 =	vld [tilespmem:s16+$0x4FD0];
	v35 =	vperm.xlane v30, v25;
	v37 =	vperm.xlane v28, v25  }
0xfc: {  	v38 =	vld [tilespmem:s16+$0x8FD0];
	v31 =	vperm.xlane v31, v29  }
0xfd: {  	v60 =	vld [tilespmem:s16+$0x4FC0];
	v29 =	vperm.xlane v34, v29;
	vm12 =	vlt.s32 v30, v35;
	vm13 =	vlt.s32 v28, v37  }
0xfe: {  	v39 =	vld [tilespmem:s16+$0x8FC0];
	v30 =	vsel vm12, v30, v35;
	v37 =	vsel vm13, v28, v37;
	v28 =	vperm.xlane v58, v31  }
0xff: {  	v62 =	vld [tilespmem:s16+$0x4FB0];
	[tilespmem:s16+$0xCFE0] =	vst v31;
	v31 =	vperm.xlane v36, v29;
	v61 =	vperm.xlane v30, v26  }
0x100: {  	v40 =	vld [tilespmem:s16+$0x8FB0];
	[tilespmem:s16+$0x10FE0] =	vst v29;
	v63 =	vperm.xlane v37, v26  }
0x101: {  	v34 =	vld [tilespmem:s16+$0x8FA0];
	[tilespmem:s16+$0xCFD0] =	vst v28;
	v33 =	vperm.xlane v59, v28;
	v38 =	vperm.xlane v38, v31;
	vm14 =	vlt.s32 v30, v61  }
0x102: {  	v28 =	vld [tilespmem:s16+$0x4FA0];
	[tilespmem:s16+$0x10FD0] =	vst v31;
	vm15 =	vlt.s32 v37, v63;
	v29 =	vsel vm14, v30, v61  }
0x103: {  	v35 =	vld [tilespmem:s16+$0x8F90];
	v30 =	vsel vm15, v37, v63;
	[tilespmem:s16+$0xCFC0] =	vst v33;
	v41 =	vperm.xlane v60, v33;
	v37 =	vperm.xlane v39, v38  }
0x104: {  	v33 =	vld [tilespmem:s16+$0x4F90];
	[tilespmem:s16+$0x10FC0] =	vst v38;
	v32 =	vperm.xlane v29, v27;
	v31 =	vperm.xlane v30, v27  }
0x105: {  	s17 =	simm.s32 $0x0;
	s18 =	simm.s32 $0x1;
	s19 =	simm.s32 $0xFFFFFE00;
	v36 =	vld [tilespmem:s16+$0x4F80];
	[tilespmem:s16+$0xCFB0] =	vst v41;
	v39 =	vperm.xlane v62, v41;
	v38 =	vperm.xlane v40, v37  }
.LBB2_4:
0x106: {  	s20 =	sshra.s32 s19, $0x2;
	[tilespmem:s16+$0x10FB0] =	vst v37;
	v37 =	vld [tilespmem:s16+$0x8F80]  }
0x107: {  	s18 =	sadd.s32 $0x8, s18;
	v40 =	vld [tilespmem:s20+$0x4FF0];
	[tilespmem:s16+$0xCFA0] =	vst v39;
	v28 =	vperm.xlane v28, v39;
	v34 =	vperm.xlane v34, v38  }
0x108: {  	p0 =	slt.u32 s18, $0x3F1;
	v39 =	vld [tilespmem:s20+$0x8FF0];
	[tilespmem:s16+$0x10FA0] =	vst v38  }
0x109: {  	v38 =	vld [tilespmem:s20+$0x4FE0];
	[tilespmem:s16+$0xCF90] =	vst v28;
	v28 =	vperm.xlane v33, v28;
	v33 =	vperm.xlane v35, v34  }
0x10a: {  	v35 =	vld [tilespmem:s20+$0x8FE0];
	[tilespmem:s16+$0x10F90] =	vst v34  }
0x10b: {  	v34 =	vld [tilespmem:s20+$0x4FD0];
	[tilespmem:s16+$0xCF80] =	vst v28;
	v28 =	vperm.xlane v36, v28;
	v36 =	vperm.xlane v37, v33  }
0x10c: {  	v37 =	vld [tilespmem:s20+$0x8FD0];
	[tilespmem:s16+$0x10F80] =	vst v33  }
0x10d: {  	v33 =	vperm.xlane v40, v28;
	v39 =	vperm.xlane v39, v36;
	v40 =	vld [tilespmem:s20+$0x4FC0];
	[tilespmem:s16+$0xCF70] =	vst v28  }
0x10e: {  	v41 =	vld [tilespmem:s20+$0x8FC0];
	[tilespmem:s16+$0x10F70] =	vst v36;
	s16 =	smov.u32 s20  }
0x10f: {  	[tilespmem:s16+$0xCFE0] =	vst v33;
	v28 =	vperm.xlane v38, v33;
	v33 =	vperm.xlane v35, v39;
	v36 =	vld [tilespmem:s16+$0x4FB0]  }
0x110: {  	[tilespmem:s16+$0x10FE0] =	vst v39;
	v38 =	vld [tilespmem:s16+$0x8FB0]  }
.Ltmp1:
0x111: {  	[tilespmem:s16+$0xCFD0] =	vst v28;
	v35 =	vperm.xlane v34, v28;
	v39 =	vperm.xlane v37, v33;
	v28 =	vld [tilespmem:s16+$0x4FA0];
	(pc) =	sbr.rel @p0 .LBB2_4-.Ltmp1, $4  }
0x112: {  	[tilespmem:s16+$0x10FD0] =	vst v33;
	v34 =	vld [tilespmem:s16+$0x8FA0]  }
0x113: {  	[tilespmem:s16+$0xCFC0] =	vst v35;
	v40 =	vperm.xlane v40, v35;
	v37 =	vperm.xlane v41, v39;
	v33 =	vld [tilespmem:s16+$0x4F90]  }
0x114: {  	[tilespmem:s16+$0x10FC0] =	vst v39;
	v35 =	vld [tilespmem:s16+$0x8F90]  }
0x115: {  	s19 =	sadd.s32 $0xFFFFFE00, s19;
	[tilespmem:s16+$0xCFB0] =	vst v40;
	v39 =	vperm.xlane v36, v40;
	v38 =	vperm.xlane v38, v37;
	v36 =	vld [tilespmem:s16+$0x4F80]  }
0x116: {  	[tilespmem:s16+$0x10FB0] =	vst v37  }
0x117: {  	v63 =	vld [tilespmem:s16+$0x8F80];
	[tilespmem:s16+$0xCFA0] =	vst v39;
	v28 =	vperm.xlane v28, v39  }
0x118: {  	v34 =	vperm.xlane v34, v38;
	[tilespmem:s16+$0x10FA0] =	vst v38  }
0x119: {  	[tilespmem:s16+$0xCF90] =	vst v28;
	v28 =	vperm.xlane v33, v28  }
0x11a: {  	v35 =	vperm.xlane v35, v34;
	[tilespmem:s16+$0x10F90] =	vst v34  }
0x11b: {  	[tilespmem:s16+$0xCF80] =	vst v28;
	v28 =	vperm.xlane v36, v28  }
0x11c: {  	v33 =	vperm.xlane v63, v35;
	[tilespmem:s16+$0x10F80] =	vst v35  }
0x11d: {  	[tilespmem:s16+$0xCF70] =	vst v28  }
0x11e: {  	[tilespmem:s16+$0x10F70] =	vst v33  }
.LBB2_6:
0x11f: {  	s16 =	sshra.s32 s17, $0x2  }
0x120: {  	v34 =	vld [tilespmem:s16+$0x1070]  }
0x121: {  	v35 =	vld [tilespmem:s16+$0x5070];
	_ =	sdelay $0x1  }
0x122: {  	p0 =	sne.s32 s17, $0xFFFFFE80  }
.Ltmp2:
0x123: {  	_ = 	snop;
	(pc) =	sbr.rel @p0 .LBB2_6-.Ltmp2, $4  }
0x124: {  	v28 =	vperm.xlane v34, v28  }
0x125: {  	v33 =	vperm.xlane v35, v33  }
0x126: {  	[tilespmem:s16+$0x9060] =	vst v28  }
0x127: {  	s17 =	sadd.s32 $0xFFFFFFC0, s17;
	[tilespmem:s16+$0xD060] =	vst v33  }
0x128: {  	s16 =	simm.s32 $0x30;
	v28 =	vmul.u32 $0x10, v4;
	s17 =	simm.s32 $0x10;
	vm0 =	vlt.s32 v29, v32;
	vm15 =	vlt.s32 v30, v31  }
0x129: {  	s18 =	simm.s32 $0x0;
	s21 =	simm.s32 $0x20;
	v33 =	vmov s16;
	v34 =	vmov s17;
	v29 =	vsel vm0, v29, v32  }
0x12a: {  	s19 =	simm.s32 $0x400;
	s22 =	simm.s32 $0x410;
	s23 =	simm.s32 $0x420;
	v51 =	vmov s18;
	v35 =	vmov s21;
	v30 =	vsel vm15, v30, v31  }
0x12b: {  	s24 =	simm.s32 $0x430;
	s20 =	simm.s32 $0x40;
	s25 =	simm.s32 $0x70;
	v52 =	vmov s19;
	v36 =	vmov s22;
	v37 =	vmov s23  }
0x12c: {  	s26 =	simm.s32 $0x50;
	s28 =	simm.s32 $0x450;
	s29 =	simm.s32 $0x470;
	v38 =	vmov s24;
	v39 =	vmov s20;
	v40 =	vmov s25  }
0x12d: {  	s30 =	simm.s32 $0xB0;
	s31 =	simm.s32 $0x480;
	v41 =	vmov s26;
	v42 =	vmov s28;
	v44 =	vmov s29  }
0x12e: {  	v46 =	vmov s30;
	v59 =	vmov s31;
	v33 =	vshll.u32 v33, $0x4  }
0x12f: {  	v50 =	vshll.u32 v34, $0x4;
	v34 =	vshll.u32 v51, $0x4;
	v35 =	vshll.u32 v35, $0x4  }
0x130: {  	s21 =	simm.s32 $0x60;
	v36 =	vshll.u32 v36, $0x4;
	v37 =	vshll.u32 v37, $0x4;
	v38 =	vshll.u32 v38, $0x4  }
0x131: {  	s22 =	simm.s32 $0x460;
	v40 =	vshll.u32 v40, $0x4;
	v53 =	vmov s21;
	v41 =	vshll.u32 v41, $0x4  }
0x132: {  	s23 =	simm.s32 $0x80;
	s24 =	simm.s32 $0x90;
	v39 =	vshll.u32 v39, $0x4;
	v43 =	vmov s22;
	v42 =	vshll.u32 v42, $0x4  }
0x133: {  	s25 =	simm.s32 $0xA0;
	s26 =	simm.s32 $0x4A0;
	v56 =	vshll.u32 v44, $0x4;
	v57 =	vmov s23;
	v47 =	vmov s24  }
0x134: {  	v58 =	vmov s25;
	v46 =	vshll.u32 v46, $0x4;
	v62 =	vmov s26  }
0x135: {  	v33 =	vor.u32 v28, v33;
	v32 =	vor.u32 v28, v50;
	v35 =	vor.u32 v28, v35  }
0x136: {  	v34 =	vor.u32 v28, v34;
	v36 =	vor.u32 v28, v36;
	v33 =	vadd.s32 v29, v33  }
0x137: {  	v37 =	vor.u32 v28, v37;
	v38 =	vor.u32 v28, v38;
	v40 =	vor.u32 v28, v40  }
0x138: {  	s21 =	simm.s32 $0x440;
	v41 =	vor.u32 v28, v41;
	v39 =	vor.u32 v28, v39;
	v32 =	vadd.s32 v29, v32  }
0x139: {  	v55 =	vmov s21;
	v43 =	vshll.u32 v43, $0x4;
	v42 =	vor.u32 v28, v42  }
0x13a: {  	s25 =	simm.s32 $0x490;
	v44 =	vshll.u32 v57, $0x4;
	v47 =	vshll.u32 v47, $0x4;
	v40 =	vadd.s32 v29, v40  }
0x13b: {  	s28 =	simm.s32 $0x4B0;
	v46 =	vor.u32 v28, v46;
	v60 =	vmov s25;
	v31 =	vadd.s32 v29, v35;
	v33 =	vld.idx.msk [tilespmem:v33+s12+$0x0], $0xffff  }
0x13c: {  	v51 =	vshll.u32 v62, $0x4;
	v57 =	vmov s28;
	v34 =	vadd.s32 v29, v34  }
0x13d: {  	v35 =	vshll.u32 v52, $0x4;
	v36 =	vadd.s32 v30, v36;
	v41 =	vadd.s32 v29, v41;
	v32 =	vld.idx.msk [tilespmem:v32+s12+$0x0], $0xffff  }
0x13e: {  	v38 =	vadd.s32 v30, v38;
	v37 =	vadd.s32 v30, v37;
	v54 =	vadd.s32 v29, v39  }
0x13f: {  	v39 =	vshll.u32 v55, $0x4;
	v43 =	vor.u32 v28, v43;
	v46 =	vadd.s32 v29, v46;
	v40 =	vld.idx.msk [tilespmem:v40+s12+$0x0], $0xffff  }
0x140: {  	v42 =	vadd.s32 v30, v42;
	v47 =	vor.u32 v28, v47;
	v31 =	vld.idx.msk [tilespmem:v31+s12+$0x0], $0xffff;
	v33 =	vshrl.u32 v33, $0x3  }
0x141: {  	v44 =	vor.u32 v28, v44;
	v39 =	vor.u32 v28, v39;
	v33 =	vcvt.s32.f32 v33  }
0x142: {  	s16 =	simm.s32 $0x11000;
	v45 =	vadd.s32 v30, v39;
	v39 =	vor.u32 v28, v56;
	v41 =	vld.idx.msk [tilespmem:v41+s12+$0x0], $0xffff;
	v32 =	vshrl.u32 v32, $0x3  }
0x143: {  	v39 =	vadd.s32 v30, v39;
	v34 =	vld.idx.msk [tilespmem:v34+s12+$0x0], $0xffff;
	v32 =	vcvt.s32.f32 v32;
	[tilespmem:s16+$0x30] =	vst v33;
	v33 =	vshll.u32 v53, $0x4  }
0x144: {  	v50 =	vshll.u32 v60, $0x4;
	v52 =	vld.idx.msk [tilespmem:v46+s12+$0x0], $0xffff;
	v40 =	vshrl.u32 v40, $0x3;
	v33 =	vor.u32 v28, v33  }
0x145: {  	v31 =	vshrl.u32 v31, $0x3;
	v40 =	vcvt.s32.f32 v40;
	[tilespmem:s16+$0x10] =	vst v32;
	v32 =	vld.idx.msk [tilespmem:v54+s12+$0x0], $0xffff;
	v33 =	vadd.s32 v29, v33  }
0x146: {  	s17 =	simm.s32 $0x11040;
	v35 =	vor.u32 v28, v35;
	v43 =	vadd.s32 v30, v43;
	v31 =	vcvt.s32.f32 v31;
	v38 =	vld.idx.msk [tilespmem:v38+s12+$0x0], $0xffff  }
0x147: {  	v44 =	vadd.s32 v29, v44;
	v35 =	vadd.s32 v30, v35;
	v41 =	vshrl.u32 v41, $0x3;
	[tilespmem:s17+$0x30] =	vst v40;
	v36 =	vld.idx.msk [tilespmem:v36+s12+$0x0], $0xffff  }
0x148: {  	v34 =	vshrl.u32 v34, $0x3;
	v41 =	vcvt.s32.f32 v41;
	v40 =	vshll.u32 v58, $0x4;
	[tilespmem:s16+$0x20] =	vst v31;
	v39 =	vld.idx.msk [tilespmem:v39+s12+$0x0], $0xffff  }
0x149: {  	v34 =	vcvt.s32.f32 v34;
	v31 =	vadd.s32 v29, v47;
	v40 =	vor.u32 v28, v40;
	v47 =	vld.idx.msk [tilespmem:v37+s12+$0x0], $0xffff  }
0x14a: {  	v56 =	vor.u32 v28, v51;
	[tilespmem:s17+$0x10] =	vst v41;
	v58 =	vshll.u32 v57, $0x4;
	v40 =	vadd.s32 v29, v40;
	v33 =	vld.idx.msk [tilespmem:v33+s12+$0x0], $0xffff  }
0x14b: {  	[tilespmem:s16+$0x0] =	vst v34;
	v41 =	vshrl.u32 v52, $0x3;
	v61 =	vld.idx.msk [tilespmem:v42+s12+$0x0], $0xffff;
	v37 =	vshll.u32 v59, $0x4;
	v32 =	vshrl.u32 v32, $0x3  }
0x14c: {  	v48 =	vld.idx.msk [tilespmem:v35+s12+$0x0], $0xffff;
	v35 =	vor.u32 v28, v50;
	v38 =	vshrl.u32 v38, $0x3;
	v49 =	vcvt.s32.f32 v32  }
0x14d: {  	v60 =	vor.u32 v28, v58;
	v36 =	vshrl.u32 v36, $0x3;
	v38 =	vcvt.s32.f32 v38  }
0x14e: {  	v41 =	vcvt.s32.f32 v41;
	v55 =	vld.idx.msk [tilespmem:v31+s12+$0x0], $0xffff;
	v63 =	vshrl.u32 v39, $0x3;
	v36 =	vcvt.s32.f32 v36;
	[tilespmem:s17+$0x0] =	vst v49  }
0x14f: {  	v54 =	vor.u32 v28, v37;
	v53 =	vcvt.s32.f32 v63;
	v37 =	vld.idx.msk [tilespmem:v40+s12+$0x0], $0xffff;
	[tilespmem:s16+$0x430] =	vst v38;
	v33 =	vshrl.u32 v33, $0x3  }
0x150: {  	s19 =	sand.u32 $0x780, s19;
	s18 =	sand.u32 $0x40, s18;
	s29 =	sand.u32 $0x40, s20;
	v59 =	vshrl.u32 v61, $0x3;
	v62 =	vshrl.u32 v47, $0x3;
	[tilespmem:s16+$0x410] =	vst v36;
	v33 =	vcvt.s32.f32 v33  }
0x151: {  	s30 =	sand.u32 $0x780, s31;
	s20 =	sor.u32 s18, s19;
	s22 =	simm.s32 $0x8;
	v39 =	vadd.s32 v30, v60;
	v63 =	vcvt.s32.f32 v59;
	v36 =	vadd.s32 v30, v35;
	[tilespmem:s17+$0x430] =	vst v53;
	v35 =	vld.idx.msk [tilespmem:v44+s12+$0x0], $0xffff  }
0x152: {  	s31 =	sand.u32 $0x40, s23;
	s23 =	simm.s32 $0xC0;
	s21 =	sand.u32 $0x780, s21;
	v31 =	vadd.s32 v30, v54;
	v61 =	vshrl.u32 v48, $0x3;
	v40 =	vcvt.s32.f32 v62;
	v34 =	vld.idx.msk [tilespmem:v45+s12+$0x0], $0xffff;
	[tilespmem:s17+$0x20] =	vst v33  }
0x153: {  	s19 =	sor.u32 s31, s30;
	s18 =	sor.u32 s29, s21;
	s21 =	simm.s32 $0x11040;
	v32 =	vadd.s32 v30, v56;
	v38 =	vcvt.s32.f32 v61;
	[tilespmem:s17+$0x410] =	vst v63;
	v42 =	vshrl.u32 v55, $0x3;
	v33 =	vld.idx.msk [tilespmem:v43+s12+$0x0], $0xffff  }
.LBB2_8:
0x154: {  	v43 =	vmov s23;
	s24 =	sadd.s32 $0x30, s23;
	s22 =	sadd.s32 $0x4, s22;
	v42 =	vcvt.s32.f32 v42;
	v37 =	vshrl.u32 v37, $0x3;
	s17 =	sadd.s32 $0x40, s17;
	[tilespmem:s16+$0x420] =	vst v40  }
0x155: {  	s16 =	sadd.s32 $0x10, s23;
	s25 =	sadd.s32 $0x20, s23;
	v40 =	vshll.u32 v43, $0x4;
	v43 =	vmov s24;
	p0 =	slt.u32 s22, $0x3C;
	[tilespmem:s17+$0x30] =	vst v41  }
0x156: {  	s26 =	sadd.s32 $0x410, s23;
	s24 =	sadd.s32 $0x400, s23;
	v41 =	vmov s16;
	v44 =	vmov s25;
	s25 =	sadd.s32 $0x420, s23;
	v43 =	vshll.u32 v43, $0x4;
	[tilespmem:s17+$0x10] =	vst v42;
	v39 =	vld.idx.msk [tilespmem:v39+s12+$0x0], $0xffff  }
0x157: {  	s29 =	sand.u32 $0x40, s23;
	s16 =	smov.u32 s21;
	s28 =	sand.u32 $0x780, s24;
	v41 =	vshll.u32 v41, $0x4;
	v42 =	vshll.u32 v44, $0x4;
	v43 =	vor.u32 v28, v43;
	v44 =	vld.idx.msk [tilespmem:v36+s12+$0x0], $0xffff;
	[tilespmem:s20+$0x11000] =	vst v38  }
0x158: {  	s21 =	smov.u32 s17;
	s28 =	sor.u32 s29, s28;
	v36 =	vor.u32 v28, v41;
	v38 =	vor.u32 v28, v42;
	s20 =	smov.u32 s18;
	v41 =	vadd.s32 v29, v43  }
0x159: {  	v40 =	vor.u32 v28, v40;
	s18 =	smov.u32 s19;
	v36 =	vadd.s32 v29, v36;
	v38 =	vadd.s32 v29, v38;
	s19 =	smov.u32 s28  }
0x15a: {  	v35 =	vshrl.u32 v35, $0x3;
	v40 =	vadd.s32 v29, v40;
	v42 =	vmov s24  }
0x15b: {  	v37 =	vcvt.s32.f32 v37;
	v45 =	vmov s25;
	v43 =	vmov s26  }
0x15c: {  	v46 =	vcvt.s32.f32 v35;
	v42 =	vshll.u32 v42, $0x4;
	v35 =	vshrl.u32 v39, $0x3  }
0x15d: {  	v39 =	vshll.u32 v43, $0x4;
	v43 =	vshll.u32 v45, $0x4;
	v35 =	vcvt.s32.f32 v35;
	v41 =	vld.idx.msk [tilespmem:v41+s12+$0x0], $0xffff;
	[tilespmem:s17+$0x20] =	vst v37  }
0x15e: {  	s24 =	sadd.s32 $0x430, s23;
	v37 =	vor.u32 v28, v42;
	v42 =	vld.idx.msk [tilespmem:v36+s12+$0x0], $0xffff;
	v36 =	vor.u32 v28, v39;
	v39 =	vor.u32 v28, v43  }
0x15f: {  	v43 =	vadd.s32 v30, v37;
	v36 =	vadd.s32 v30, v36;
	v37 =	vld.idx.msk [tilespmem:v38+s12+$0x0], $0xffff;
	v38 =	vmov s24;
	[tilespmem:s17+$0x430] =	vst v35  }
.Ltmp3:
0x160: {  	v39 =	vadd.s32 v30, v39;
	v35 =	vld.idx.msk [tilespmem:v40+s12+$0x0], $0xffff;
	v38 =	vshll.u32 v38, $0x4;
	[tilespmem:s17+$0x0] =	vst v46;
	v40 =	vshrl.u32 v44, $0x3;
	(pc) =	sbr.rel @p0 .LBB2_8-.Ltmp3, $4  }
0x161: {  	v45 =	vshrl.u32 v33, $0x3;
	v44 =	vshrl.u32 v34, $0x3;
	v38 =	vor.u32 v28, v38;
	v33 =	vld.idx.msk [tilespmem:v32+s12+$0x0], $0xffff;
	v32 =	vmovc v39  }
0x162: {  	v46 =	vcvt.s32.f32 v40;
	v40 =	vcvt.s32.f32 v45;
	v39 =	vadd.s32 v30, v38;
	v34 =	vld.idx.msk [tilespmem:v31+s12+$0x0], $0xffff;
	v31 =	vmovc v43  }
0x163: {  	v41 =	vshrl.u32 v41, $0x3;
	v38 =	vcvt.s32.f32 v44  }
0x164: {  	s23 =	sadd.s32 $0x40, s23;
	v42 =	vshrl.u32 v42, $0x3;
	v41 =	vcvt.s32.f32 v41;
	[tilespmem:s17+$0x410] =	vst v46  }
0x165: {  	_ =	sdelay $0x1  }
0x166: {  	v28 =	vcvt.s32.f32 v42;
	s17 =	sadd.s32 $0x40, s17  }
0x167: {  	[tilespmem:s17+$0x30] =	vst v41  }
0x168: {  	v29 =	vshrl.u32 v37, $0x3;
	[tilespmem:s17+$0x10] =	vst v28;
	v28 =	vld.idx.msk [tilespmem:v39+s12+$0x0], $0xffff  }
0x169: {  	v35 =	vshrl.u32 v35, $0x3;
	v29 =	vcvt.s32.f32 v29  }
0x16a: {  	v35 =	vcvt.s32.f32 v35;
	v30 =	vld.idx.msk [tilespmem:v36+s12+$0x0], $0xffff  }
0x16b: {  	[tilespmem:s17+$0x20] =	vst v29  }
0x16c: {  	[tilespmem:s17+$0x0] =	vst v35;
	v29 =	vld.idx.msk [tilespmem:v32+s12+$0x0], $0xffff  }
0x16d: {  	v31 =	vld.idx.msk [tilespmem:v31+s12+$0x0], $0xffff;
	v28 =	vshrl.u32 v28, $0x3  }
0x16e: {  	[tilespmem:s16+$0x420] =	vst v40;
	v62 =	vshrl.u32 v33, $0x3;
	v28 =	vcvt.s32.f32 v28  }
0x16f: {  	[tilespmem:s20+$0x11000] =	vst v38;
	v32 =	vcvt.s32.f32 v62;
	v30 =	vshrl.u32 v30, $0x3  }
0x170: {  	v30 =	vcvt.s32.f32 v30;
	[tilespmem:s17+$0x430] =	vst v28;
	v28 =	vshrl.u32 v34, $0x3  }
0x171: {  	[tilespmem:s21+$0x420] =	vst v32;
	v29 =	vshrl.u32 v29, $0x3;
	v28 =	vcvt.s32.f32 v28  }
0x172: {  	v63 =	vshrl.u32 v31, $0x3;
	v29 =	vcvt.s32.f32 v29;
	[tilespmem:s17+$0x410] =	vst v30  }
0x173: {  	[tilespmem:s18+$0x11000] =	vst v28;
	v28 =	vcvt.s32.f32 v63  }
0x174: {  	[tilespmem:s17+$0x420] =	vst v29  }
0x175: {  	[tilespmem:s19+$0x11000] =	vst v28  }
0x176: {  	[hbm4b:s5+s8] =	stream.strided.scatter [tilespmem:s13], [sflag:$0x1], $0x400, s9, s8, $0x38;
	[tilespmem:$0x11800] =	vst v63  }
0x177: {  	s15 =	sadd.s32 $0x1, s15;
	_ =	swait.ge [sflag:s10], $0x400  }
0x178: {  	p0 =	sne.s32 s15, s7;
	[sflag:s10] =	ssyncset.done $0x0  }
.Ltmp4:
0x179: {  	[sflag:s10] =	ssyncadd.s32 $0xFFFFFC00;
	(pc) =	sbr.rel @p0 .LBB2_1-.Ltmp4, $4  }
0x17a: {  	[hbm4b:s6+s8] =	stream.strided.scatter [tilespmem:s14], [sflag:$0x1], $0x400, s9, s8, $0x38;
	[tilespmem:$0x11800] =	vst v63  }
0x17b: {  	_ =	swait.ge [sflag:s10], $0x400  }
0x17c: {  	[sflag:s10] =	ssyncset.done $0x0  }
0x17d: {  	[sflag:s10] =	ssyncadd.s32 $0xFFFFFC00  }
0x17e: {  	_ =	sfence.sel $0x180000  }
0x17f: {  	[bflag:$0x0] =	sbarrier.arrive $0xFFFF  }
0x180: {  	p0 =	sne.s32 s1, $0x0;
	_ =	strace $0x90000047  }
0x181: {  	s0 =	sadd.s32 @!p0 $0x100000, s0;
	[bflag:$0x2] =	sbarrier.arrive $0xFFFF  }
0x182: {  	[sflag:s0] =	ssyncadd.tile.s32 @!p0 $0x1;
	_ =	shalt  }
.Lfunc_end2:
_tile_overlayer_lowered:
.L_overlay_start_2:
0x183: {  	(tag) =	ssettag $0x2  }
0x184: {  	s0 =	rddreg [dreg:$0x0];
	s2 =	stileid.u32  }
0x185: {  	s1 =	rddreg [dreg:$0x1];
	p0 =	sne.s32 s2, $0x0  }
0x186: {  	s3 =	rddreg [dreg:$0x2];
	[bflag:$0x3] =	sbarrier.arrive $0xFFFF;
	s2 =	simm.s32 @!p0 $0x1C01  }
0x187: {  	[timem:s3], [sflag:s2] =	dma.local @!p0 [hbm:s0], s1  }
0x188: {  	s0 =	simm.s32 @!p0 $0x1  }
0x189: {  	_ =	swait.ge @!p0 [sflag:s0], s1  }
0x18a: {  	s1 =	ssub.s32 @!p0 $0x0, s1;
	[sflag:s0] =	ssyncset.done @!p0 $0x0  }
0x18b: {  	[sflag:s0] =	ssyncadd.s32 @!p0 s1  }
0x18c: {  	[bflag:$0x3] =	sbarrier.arrive $0xFFFF  }
0x18d: {  	_ =	shalt  }

</sc_bundles>
